<compile_context>
chip_gen: v7x
topology: tpu7x:2x2x1
jax: 0.10.2.dev20260603
libtpu: 0.0.44.dev20260713+nightly
codegen_flags: <defaults>
</compile_context>

<pallas_src>
import functools

import jax
import jax.numpy as jnp
from jax import lax
from jax.experimental import pallas as pl
from jax.experimental.pallas import tpu as pltpu
from jax.experimental.pallas import tpu_sc as plsc

B, C_IN, N = 2, 192, 1024
D, K = 64, 512

_NC, _NS, _L = 2, 16, 16
_NW = _NC * _NS
_TOK = B * N


_W = B * N


def _tc_body(z_ref, w_ref, emb_ref, idx_ref, embt_ref):
    w = w_ref[...]
    emb = emb_ref[...]
    hi = lax.Precision.HIGHEST
    wb = w.astype(jnp.bfloat16)
    zb = jnp.concatenate([z_ref[0], z_ref[1]], axis=1)
    ze = jnp.dot(wb, zb.astype(jnp.bfloat16),
                 preferred_element_type=jnp.float32)
    scores = jnp.dot(emb, ze, preferred_element_type=jnp.float32,
                     precision=hi)
    esq2 = 0.5 * jnp.sum(emb * emb, axis=1, keepdims=True)
    dist = esq2 - scores

    iota = lax.broadcasted_iota(jnp.int32, (K, _W), 0)
    i1 = jnp.argmin(dist, axis=0, keepdims=True).astype(jnp.int32)
    dist2 = jnp.where(iota == i1, jnp.float32(jnp.inf), dist)
    i2 = jnp.argmin(dist2, axis=0, keepdims=True).astype(jnp.int32)

    oh1 = (iota == i1).astype(jnp.bfloat16)
    oh2 = (iota == i2).astype(jnp.bfloat16)
    dn = (((0,), (0,)), ((), ()))
    bh = emb.astype(jnp.bfloat16)
    r1 = emb - bh.astype(jnp.float32)
    b1 = r1.astype(jnp.bfloat16)
    b2 = (r1 - b1.astype(jnp.float32)).astype(jnp.bfloat16)

    def _sel(oh):
        p0 = lax.dot_general(bh, oh, dn, preferred_element_type=jnp.float32)
        p1 = lax.dot_general(b1, oh, dn, preferred_element_type=jnp.float32)
        p2 = lax.dot_general(b2, oh, dn, preferred_element_type=jnp.float32)
        return (p0 + p1) + p2

    e1 = _sel(oh1)
    e2 = _sel(oh2)
    d1 = jnp.sum((ze - e1) ** 2, axis=0, keepdims=True)
    d2 = jnp.sum((ze - e2) ** 2, axis=0, keepdims=True)
    pick2 = (d2 < d1) | ((d2 == d1) & (i2 < i1))
    idx_ref[...] = jnp.where(pick2, i2, i1)

    embt_ref[...] = emb.T


_tc_call = pl.pallas_call(
    _tc_body,
    in_specs=[
        pl.BlockSpec((B, C_IN, N), lambda: (0, 0, 0)),
        pl.BlockSpec((D, C_IN), lambda: (0, 0)),
        pl.BlockSpec((K, D), lambda: (0, 0)),
    ],
    out_specs=[
        pl.BlockSpec((1, _W), lambda: (0, 0)),
        pl.BlockSpec((D, K), lambda: (0, 0)),
    ],
    out_shape=[
        jax.ShapeDtypeStruct((1, _W), jnp.int32),
        jax.ShapeDtypeStruct((D, K), jnp.float32),
    ],
)


@functools.cache
def _make_sc_gather():
    mesh = plsc.VectorSubcoreMesh(core_axis_name="c", subcore_axis_name="s")

    tblk = 512
    drows = D // 8

    @functools.partial(
        pl.kernel,
        mesh=mesh,
        compiler_params=pltpu.CompilerParams(needs_layout_passes=False),
        out_type=jax.ShapeDtypeStruct((B, D, N), jnp.float32),
        scratch_types=[
            pltpu.VMEM((tblk,), jnp.int32),
            pltpu.VMEM((drows, K), jnp.float32),
            pltpu.VMEM((drows, tblk), jnp.float32),
            pltpu.SemaphoreType.DMA,
            pltpu.SemaphoreType.DMA,
        ],
    )
    def _sc_gather(embt_hbm, idx_hbm, out_hbm, idx_v, embt_v, outt_v, sem, sem2):
        wid = lax.axis_index("s") * _NC + lax.axis_index("c")
        b = wid // (_NW // B)
        r = wid % (_NW // B)
        dh = r // (N // tblk)
        tb = r % (N // tblk)
        cp1 = pltpu.async_copy(embt_hbm.at[pl.ds(dh * drows, drows), :],
                               embt_v, sem)
        cp2 = pltpu.async_copy(idx_hbm.at[pl.ds(b * N + tb * tblk, tblk)],
                               idx_v, sem2)
        cp2.wait()
        cp1.wait()

        @plsc.parallel_loop(0, drows, unroll=8)
        def _row(dl):
            drow = jnp.full((_L,), dl, jnp.int32)
            for g in range(tblk // _L):
                tok = idx_v[pl.ds(g * _L, _L)]
                outt_v[dl, pl.ds(g * _L, _L)] = plsc.load_gather(
                    embt_v, [drow, tok])
        pltpu.sync_copy(
            outt_v, out_hbm.at[b, pl.ds(dh * drows, drows),
                               pl.ds(tb * tblk, tblk)])

    return _sc_gather


def kernel(z, W, emb):
    idx, embt = _tc_call(z, W, emb)
    return _make_sc_gather()(embt, idx.reshape(_TOK))

# --- scband reference (transcript-rebuilt; emitter-appended) ---
"""Pipeline reference for scband-vqema-82781199663433 (READ-ONLY COPY).

The authoritative reference and input builder live on the scoring server;
editing this copy changes nothing except your own understanding.
"""

import jax, jax.numpy as jnp
import numpy as np

B, C_IN, N = 2, 192, 1024
D, K = 64, 512

def setup_inputs(seed: int = 0) -> dict:
    key = jax.random.key(seed)
    k1, k2, k3 = jax.random.split(key, 3)
    z = jax.random.normal(k1, (B, C_IN, N), dtype=jnp.float32)
    # xavier-init 1x1 conv weight (out=D, in=C_IN), bias=False
    aw = float(np.sqrt(6.0 / (C_IN + D)))
    W = jax.random.uniform(k2, (D, C_IN), minval=-aw, maxval=aw, dtype=jnp.float32)
    # codebook emb: xavier_uniform with gain=10 on (K, D)
    ae = float(10.0 * np.sqrt(6.0 / (K + D)))
    emb = jax.random.uniform(k3, (K, D), minval=-ae, maxval=ae, dtype=jnp.float32)
    return {"z": z, "W": W, "emb": emb}

def reference(z, W, emb):
    # ze = Conv1d(n_in, d, kernel=1, bias=False)(z) -> (B, D, N)
    ze = jnp.einsum('oc,bcn->bon', W, z)
    sg_emb = jax.lax.stop_gradient(emb)
    # l2norm_sq: (B,1,D,N) - (K,D,1) broadcast -> (B,K,D,N), sum over D -> (B,K,N)
    diff = ze[:, None, :, :] - sg_emb[None, :, :, None]
    l2norm_sq = (diff ** 2).sum(axis=2)
    min_ind = jnp.argmin(l2norm_sq, axis=1)  # (B, N)
    # zq = gather_md(sg_emb, 0, min_ind).permute(1,0,2) -> (B, D, N)
    zq = jnp.take(sg_emb, min_ind, axis=0).transpose(0, 2, 1)
    # ReplaceGrad straight-through: value = zq, gradient flows to ze
    zq_rg = ze + jax.lax.stop_gradient(zq - ze)
    return zq_rg

if __name__ == "__main__":
    import jax
    _d = setup_inputs()
    print(jax.jit(kernel)(*tuple(_d.values())))

</pallas_src>

<mosaic_0001>
#map = affine_map<(d0, d1) -> (0, 0)>
#map1 = affine_map<(d0, d1) -> (0)>
#map2 = affine_map<(d0, d1) -> (0, 0, 0)>
module attributes {stable_mosaic.version = 14 : i64} {
  func.func @_sc_gather(%arg0: i32, %arg1: i32, %arg2: memref<64x512xf32, #tpu.memory_space<hbm>>, %arg3: memref<2048xi32, #tpu.memory_space<hbm>>, %arg4: memref<2x64x1024xf32, #tpu.memory_space<hbm>>, %arg5: memref<512xi32, #tpu.memory_space<vmem>>, %arg6: memref<8x512xf32, #tpu.memory_space<vmem>>, %arg7: memref<8x512xf32, #tpu.memory_space<vmem>>, %arg8: memref<!tpu.dma_semaphore, #tpu.memory_space<semaphore_mem>>, %arg9: memref<!tpu.dma_semaphore, #tpu.memory_space<semaphore_mem>>) attributes {dimension_semantics = [#tpu.dimension_semantics<core_parallel>, #tpu.dimension_semantics<subcore_parallel>], iteration_bounds = array<i64: 2, 16>, scalar_prefetch = 0 : i64, scratch_operands = 5 : i64, tpu.core_type = #tpu.core_type<sc_vector_subcore>, window_params = [{transform_indices = #map}, {transform_indices = #map1}, {transform_indices = #map2}]} {
    %mul3A = arith.constant 2 : i32
    %mul3A_0 = arith.muli %arg1, %mul3A : i32
    %add3A = arith.addi %mul3A_0, %arg0 : i32
    %jit3A = arith.constant 16 : i32
    %div3A = arith.divsi %add3A, %jit3A : i32
    %sign3A = arith.constant 0 : i32
    %sign3A_1 = arith.cmpi sgt, %add3A, %sign3A : i32
    %sign3A_2 = arith.extui %sign3A_1 : i1 to i32
    %sign3A_3 = arith.constant 0 : i32
    %sign3A_4 = arith.cmpi slt, %add3A, %sign3A_3 : i32
    %sign3A_5 = arith.extui %sign3A_4 : i1 to i32
    %sign3A_6 = arith.subi %sign3A_2, %sign3A_5 : i32
    %sign3A_7 = arith.constant 0 : i32
    %sign3A_8 = arith.cmpi sgt, %jit3A, %sign3A_7 : i32
    %sign3A_9 = arith.extui %sign3A_8 : i1 to i32
    %sign3A_10 = arith.constant 0 : i32
    %sign3A_11 = arith.cmpi slt, %jit3A, %sign3A_10 : i32
    %sign3A_12 = arith.extui %sign3A_11 : i1 to i32
    %sign3A_13 = arith.subi %sign3A_9, %sign3A_12 : i32
    %ne3A = arith.cmpi ne, %sign3A_6, %sign3A_13 : i32
    %rem3A = arith.remsi %add3A, %jit3A : i32
    %ne3A_14 = arith.constant 0 : i32
    %ne3A_15 = arith.cmpi ne, %rem3A, %ne3A_14 : i32
    %and3A = arith.andi %ne3A, %ne3A_15 : i1
    %sub3A = arith.constant 1 : i32
    %sub3A_16 = arith.subi %div3A, %sub3A : i32
    %select_n3A = arith.select %and3A, %sub3A_16, %div3A : i32
    %jit3A_17 = arith.constant 16 : i32
    %eq3A = arith.constant 0 : i32
    %eq3A_18 = arith.cmpi eq, %jit3A_17, %eq3A : i32
    %jit3A_19 = arith.constant 1 : i32
    %select_n3A_20 = arith.select %eq3A_18, %jit3A_19, %jit3A_17 : i32
    %rem3A_21 = arith.remsi %add3A, %select_n3A_20 : i32
    %ne3A_22 = arith.constant 0 : i32
    %ne3A_23 = arith.cmpi ne, %rem3A_21, %ne3A_22 : i32
    %lt3A = arith.constant 0 : i32
    %lt3A_24 = arith.cmpi slt, %rem3A_21, %lt3A : i32
    %lt3A_25 = arith.constant 0 : i32
    %lt3A_26 = arith.cmpi slt, %select_n3A_20, %lt3A_25 : i32
    %ne3A_27 = arith.xori %lt3A_24, %lt3A_26 : i1
    %and3A_28 = arith.andi %ne3A_27, %ne3A_23 : i1
    %add3A_29 = arith.addi %rem3A_21, %select_n3A_20 : i32
    %select_n3A_30 = arith.select %and3A_28, %add3A_29, %rem3A_21 : i32
    %jit3A_31 = arith.constant 2 : i32
    %div3A_32 = arith.divsi %select_n3A_30, %jit3A_31 : i32
    %sign3A_33 = arith.constant 0 : i32
    %sign3A_34 = arith.cmpi sgt, %select_n3A_30, %sign3A_33 : i32
    %sign3A_35 = arith.extui %sign3A_34 : i1 to i32
    %sign3A_36 = arith.constant 0 : i32
    %sign3A_37 = arith.cmpi slt, %select_n3A_30, %sign3A_36 : i32
    %sign3A_38 = arith.extui %sign3A_37 : i1 to i32
    %sign3A_39 = arith.subi %sign3A_35, %sign3A_38 : i32
    %sign3A_40 = arith.constant 0 : i32
    %sign3A_41 = arith.cmpi sgt, %jit3A_31, %sign3A_40 : i32
    %sign3A_42 = arith.extui %sign3A_41 : i1 to i32
    %sign3A_43 = arith.constant 0 : i32
    %sign3A_44 = arith.cmpi slt, %jit3A_31, %sign3A_43 : i32
    %sign3A_45 = arith.extui %sign3A_44 : i1 to i32
    %sign3A_46 = arith.subi %sign3A_42, %sign3A_45 : i32
    %ne3A_47 = arith.cmpi ne, %sign3A_39, %sign3A_46 : i32
    %rem3A_48 = arith.remsi %select_n3A_30, %jit3A_31 : i32
    %ne3A_49 = arith.constant 0 : i32
    %ne3A_50 = arith.cmpi ne, %rem3A_48, %ne3A_49 : i32
    %and3A_51 = arith.andi %ne3A_47, %ne3A_50 : i1
    %sub3A_52 = arith.constant 1 : i32
    %sub3A_53 = arith.subi %div3A_32, %sub3A_52 : i32
    %select_n3A_54 = arith.select %and3A_51, %sub3A_53, %div3A_32 : i32
    %jit3A_55 = arith.constant 2 : i32
    %eq3A_56 = arith.constant 0 : i32
    %eq3A_57 = arith.cmpi eq, %jit3A_55, %eq3A_56 : i32
    %jit3A_58 = arith.constant 1 : i32
    %select_n3A_59 = arith.select %eq3A_57, %jit3A_58, %jit3A_55 : i32
    %rem3A_60 = arith.remsi %select_n3A_30, %select_n3A_59 : i32
    %ne3A_61 = arith.constant 0 : i32
    %ne3A_62 = arith.cmpi ne, %rem3A_60, %ne3A_61 : i32
    %lt3A_63 = arith.constant 0 : i32
    %lt3A_64 = arith.cmpi slt, %rem3A_60, %lt3A_63 : i32
    %lt3A_65 = arith.constant 0 : i32
    %lt3A_66 = arith.cmpi slt, %select_n3A_59, %lt3A_65 : i32
    %ne3A_67 = arith.xori %lt3A_64, %lt3A_66 : i1
    %and3A_68 = arith.andi %ne3A_67, %ne3A_62 : i1
    %add3A_69 = arith.addi %rem3A_60, %select_n3A_59 : i32
    %select_n3A_70 = arith.select %and3A_68, %add3A_69, %rem3A_60 : i32
    %mul3A_71 = arith.constant 8 : i32
    %mul3A_72 = arith.muli %select_n3A_54, %mul3A_71 : i32
    %dma_start3A = arith.constant 0 : i32
    %dma_start3A_73 = tpu.memref_slice %arg2[%mul3A_72, %dma_start3A] : memref<64x512xf32, #tpu.memory_space<hbm>> -> memref<8x512xf32, #tpu.memory_space<hbm>>
    %dma_start3A_74 = arith.constant 0 : i32
    %dma_start3A_75 = tpu.memref_slice %arg2[%mul3A_72, %dma_start3A_74] : memref<64x512xf32, #tpu.memory_space<hbm>> -> memref<8x512xf32, #tpu.memory_space<hbm>>
    tpu.enqueue_dma source(%dma_start3A_75 : memref<8x512xf32, #tpu.memory_space<hbm>>) target(%arg6 : memref<8x512xf32, #tpu.memory_space<vmem>>) target_semaphore(%arg8 : memref<!tpu.dma_semaphore, #tpu.memory_space<semaphore_mem>>)
    %mul3A_76 = arith.constant 1024 : i32
    %mul3A_77 = arith.muli %select_n3A, %mul3A_76 : i32
    %mul3A_78 = arith.constant 512 : i32
    %mul3A_79 = arith.muli %select_n3A_70, %mul3A_78 : i32
    %add3A_80 = arith.addi %mul3A_77, %mul3A_79 : i32
    %dma_start3A_81 = tpu.memref_slice %arg3[%add3A_80] : memref<2048xi32, #tpu.memory_space<hbm>> -> memref<512xi32, #tpu.memory_space<hbm>>
    %dma_start3A_82 = tpu.memref_slice %arg3[%add3A_80] : memref<2048xi32, #tpu.memory_space<hbm>> -> memref<512xi32, #tpu.memory_space<hbm>>
    tpu.enqueue_dma source(%dma_start3A_82 : memref<512xi32, #tpu.memory_space<hbm>>) target(%arg5 : memref<512xi32, #tpu.memory_space<vmem>>) target_semaphore(%arg9 : memref<!tpu.dma_semaphore, #tpu.memory_space<semaphore_mem>>)
    %dma_wait3A = tpu.memref_slice %arg3[%add3A_80] : memref<2048xi32, #tpu.memory_space<hbm>> -> memref<512xi32, #tpu.memory_space<hbm>>
    %dma_wait3A_83 = tpu.memref_slice %arg3[%add3A_80] : memref<2048xi32, #tpu.memory_space<hbm>> -> memref<512xi32, #tpu.memory_space<hbm>>
    tpu.wait_dma2 semaphore(%arg9 : memref<!tpu.dma_semaphore, #tpu.memory_space<semaphore_mem>>) src(%dma_wait3A_83 : memref<512xi32, #tpu.memory_space<hbm>>) dst(%arg5 : memref<512xi32, #tpu.memory_space<vmem>>)
    %dma_wait3A_84 = arith.constant 0 : i32
    %dma_wait3A_85 = tpu.memref_slice %arg2[%mul3A_72, %dma_wait3A_84] : memref<64x512xf32, #tpu.memory_space<hbm>> -> memref<8x512xf32, #tpu.memory_space<hbm>>
    %dma_wait3A_86 = arith.constant 0 : i32
    %dma_wait3A_87 = tpu.memref_slice %arg2[%mul3A_72, %dma_wait3A_86] : memref<64x512xf32, #tpu.memory_space<hbm>> -> memref<8x512xf32, #tpu.memory_space<hbm>>
    tpu.wait_dma2 semaphore(%arg8 : memref<!tpu.dma_semaphore, #tpu.memory_space<semaphore_mem>>) src(%dma_wait3A_87 : memref<8x512xf32, #tpu.memory_space<hbm>>) dst(%arg6 : memref<8x512xf32, #tpu.memory_space<vmem>>)
    %parallel_loop3A = arith.constant 0 : i32
    %parallel_loop3A_88 = arith.constant 8 : i32
    %parallel_loop3A_89 = arith.constant 1 : i32
    scf.for %parallel_loop3A_94 = %parallel_loop3A to %parallel_loop3A_88 step %parallel_loop3A_89  : i32 {
      %parallel_loop3A_95 = vector.broadcast %parallel_loop3A_94 : i32 to vector<16xi32>
      %parallel_loop3A_96 = arith.constant 0 : index
      %parallel_loop3A_97 = tpu.vector_load %arg5[%parallel_loop3A_96] {strides = array<i32>} : memref<512xi32, #tpu.memory_space<vmem>>, vector<16xi32>,
      %parallel_loop3A_98 = tpu.vector_load_idx %arg6[%parallel_loop3A_95, %parallel_loop3A_97] : memref<8x512xf32, #tpu.memory_space<vmem>>[vector<16xi32>, vector<16xi32>], vector<16xf32>,
      %parallel_loop3A_99 = arith.index_cast %parallel_loop3A_94 : i32 to index
      %parallel_loop3A_100 = arith.constant 0 : index
      %parallel_loop3A_101 = tpu.vector_load %arg7[%parallel_loop3A_99, %parallel_loop3A_100] {strides = array<i32>} : memref<8x512xf32, #tpu.memory_space<vmem>>, vector<16xf32>,
      tpu.vector_store %arg7[%parallel_loop3A_99, %parallel_loop3A_100], %parallel_loop3A_98 {strides = array<i32>} : memref<8x512xf32, #tpu.memory_space<vmem>>, vector<16xf32>,
      %parallel_loop3A_102 = arith.constant 16 : index
      %parallel_loop3A_103 = tpu.vector_load %arg5[%parallel_loop3A_102] {strides = array<i32>} : memref<512xi32, #tpu.memory_space<vmem>>, vector<16xi32>,
      %parallel_loop3A_104 = tpu.vector_load_idx %arg6[%parallel_loop3A_95, %parallel_loop3A_103] : memref<8x512xf32, #tpu.memory_space<vmem>>[vector<16xi32>, vector<16xi32>], vector<16xf32>,
      %parallel_loop3A_105 = arith.index_cast %parallel_loop3A_94 : i32 to index
      %parallel_loop3A_106 = arith.constant 16 : index
      %parallel_loop3A_107 = tpu.vector_load %arg7[%parallel_loop3A_105, %parallel_loop3A_106] {strides = array<i32>} : memref<8x512xf32, #tpu.memory_space<vmem>>, vector<16xf32>,
      tpu.vector_store %arg7[%parallel_loop3A_105, %parallel_loop3A_106], %parallel_loop3A_104 {strides = array<i32>} : memref<8x512xf32, #tpu.memory_space<vmem>>, vector<16xf32>,
      %parallel_loop3A_108 = arith.constant 32 : index
      %parallel_loop3A_109 = tpu.vector_load %arg5[%parallel_loop3A_108] {strides = array<i32>} : memref<512xi32, #tpu.memory_space<vmem>>, vector<16xi32>,
      %parallel_loop3A_110 = tpu.vector_load_idx %arg6[%parallel_loop3A_95, %parallel_loop3A_109] : memref<8x512xf32, #tpu.memory_space<vmem>>[vector<16xi32>, vector<16xi32>], vector<16xf32>,
      %parallel_loop3A_111 = arith.index_cast %parallel_loop3A_94 : i32 to index
      %parallel_loop3A_112 = arith.constant 32 : index
      %parallel_loop3A_113 = tpu.vector_load %arg7[%parallel_loop3A_111, %parallel_loop3A_112] {strides = array<i32>} : memref<8x512xf32, #tpu.memory_space<vmem>>, vector<16xf32>,
      tpu.vector_store %arg7[%parallel_loop3A_111, %parallel_loop3A_112], %parallel_loop3A_110 {strides = array<i32>} : memref<8x512xf32, #tpu.memory_space<vmem>>, vector<16xf32>,
      %parallel_loop3A_114 = arith.constant 48 : index
      %parallel_loop3A_115 = tpu.vector_load %arg5[%parallel_loop3A_114] {strides = array<i32>} : memref<512xi32, #tpu.memory_space<vmem>>, vector<16xi32>,
      %parallel_loop3A_116 = tpu.vector_load_idx %arg6[%parallel_loop3A_95, %parallel_loop3A_115] : memref<8x512xf32, #tpu.memory_space<vmem>>[vector<16xi32>, vector<16xi32>], vector<16xf32>,
      %parallel_loop3A_117 = arith.index_cast %parallel_loop3A_94 : i32 to index
      %parallel_loop3A_118 = arith.constant 48 : index
      %parallel_loop3A_119 = tpu.vector_load %arg7[%parallel_loop3A_117, %parallel_loop3A_118] {strides = array<i32>} : memref<8x512xf32, #tpu.memory_space<vmem>>, vector<16xf32>,
      tpu.vector_store %arg7[%parallel_loop3A_117, %parallel_loop3A_118], %parallel_loop3A_116 {strides = array<i32>} : memref<8x512xf32, #tpu.memory_space<vmem>>, vector<16xf32>,
      %parallel_loop3A_120 = arith.constant 64 : index
      %parallel_loop3A_121 = tpu.vector_load %arg5[%parallel_loop3A_120] {strides = array<i32>} : memref<512xi32, #tpu.memory_space<vmem>>, vector<16xi32>,
      %parallel_loop3A_122 = tpu.vector_load_idx %arg6[%parallel_loop3A_95, %parallel_loop3A_121] : memref<8x512xf32, #tpu.memory_space<vmem>>[vector<16xi32>, vector<16xi32>], vector<16xf32>,
      %parallel_loop3A_123 = arith.index_cast %parallel_loop3A_94 : i32 to index
      %parallel_loop3A_124 = arith.constant 64 : index
      %parallel_loop3A_125 = tpu.vector_load %arg7[%parallel_loop3A_123, %parallel_loop3A_124] {strides = array<i32>} : memref<8x512xf32, #tpu.memory_space<vmem>>, vector<16xf32>,
      tpu.vector_store %arg7[%parallel_loop3A_123, %parallel_loop3A_124], %parallel_loop3A_122 {strides = array<i32>} : memref<8x512xf32, #tpu.memory_space<vmem>>, vector<16xf32>,
      %parallel_loop3A_126 = arith.constant 80 : index
      %parallel_loop3A_127 = tpu.vector_load %arg5[%parallel_loop3A_126] {strides = array<i32>} : memref<512xi32, #tpu.memory_space<vmem>>, vector<16xi32>,
      %parallel_loop3A_128 = tpu.vector_load_idx %arg6[%parallel_loop3A_95, %parallel_loop3A_127] : memref<8x512xf32, #tpu.memory_space<vmem>>[vector<16xi32>, vector<16xi32>], vector<16xf32>,
      %parallel_loop3A_129 = arith.index_cast %parallel_loop3A_94 : i32 to index
      %parallel_loop3A_130 = arith.constant 80 : index
      %parallel_loop3A_131 = tpu.vector_load %arg7[%parallel_loop3A_129, %parallel_loop3A_130] {strides = array<i32>} : memref<8x512xf32, #tpu.memory_space<vmem>>, vector<16xf32>,
      tpu.vector_store %arg7[%parallel_loop3A_129, %parallel_loop3A_130], %parallel_loop3A_128 {strides = array<i32>} : memref<8x512xf32, #tpu.memory_space<vmem>>, vector<16xf32>,
      %parallel_loop3A_132 = arith.constant 96 : index
      %parallel_loop3A_133 = tpu.vector_load %arg5[%parallel_loop3A_132] {strides = array<i32>} : memref<512xi32, #tpu.memory_space<vmem>>, vector<16xi32>,
      %parallel_loop3A_134 = tpu.vector_load_idx %arg6[%parallel_loop3A_95, %parallel_loop3A_133] : memref<8x512xf32, #tpu.memory_space<vmem>>[vector<16xi32>, vector<16xi32>], vector<16xf32>,
      %parallel_loop3A_135 = arith.index_cast %parallel_loop3A_94 : i32 to index
      %parallel_loop3A_136 = arith.constant 96 : index
      %parallel_loop3A_137 = tpu.vector_load %arg7[%parallel_loop3A_135, %parallel_loop3A_136] {strides = array<i32>} : memref<8x512xf32, #tpu.memory_space<vmem>>, vector<16xf32>,
      tpu.vector_store %arg7[%parallel_loop3A_135, %parallel_loop3A_136], %parallel_loop3A_134 {strides = array<i32>} : memref<8x512xf32, #tpu.memory_space<vmem>>, vector<16xf32>,
      %parallel_loop3A_138 = arith.constant 112 : index
      %parallel_loop3A_139 = tpu.vector_load %arg5[%parallel_loop3A_138] {strides = array<i32>} : memref<512xi32, #tpu.memory_space<vmem>>, vector<16xi32>,
      %parallel_loop3A_140 = tpu.vector_load_idx %arg6[%parallel_loop3A_95, %parallel_loop3A_139] : memref<8x512xf32, #tpu.memory_space<vmem>>[vector<16xi32>, vector<16xi32>], vector<16xf32>,
      %parallel_loop3A_141 = arith.index_cast %parallel_loop3A_94 : i32 to index
      %parallel_loop3A_142 = arith.constant 112 : index
      %parallel_loop3A_143 = tpu.vector_load %arg7[%parallel_loop3A_141, %parallel_loop3A_142] {strides = array<i32>} : memref<8x512xf32, #tpu.memory_space<vmem>>, vector<16xf32>,
      tpu.vector_store %arg7[%parallel_loop3A_141, %parallel_loop3A_142], %parallel_loop3A_140 {strides = array<i32>} : memref<8x512xf32, #tpu.memory_space<vmem>>, vector<16xf32>,
      %parallel_loop3A_144 = arith.constant 128 : index
      %parallel_loop3A_145 = tpu.vector_load %arg5[%parallel_loop3A_144] {strides = array<i32>} : memref<512xi32, #tpu.memory_space<vmem>>, vector<16xi32>,
      %parallel_loop3A_146 = tpu.vector_load_idx %arg6[%parallel_loop3A_95, %parallel_loop3A_145] : memref<8x512xf32, #tpu.memory_space<vmem>>[vector<16xi32>, vector<16xi32>], vector<16xf32>,
      %parallel_loop3A_147 = arith.index_cast %parallel_loop3A_94 : i32 to index
      %parallel_loop3A_148 = arith.constant 128 : index
      %parallel_loop3A_149 = tpu.vector_load %arg7[%parallel_loop3A_147, %parallel_loop3A_148] {strides = array<i32>} : memref<8x512xf32, #tpu.memory_space<vmem>>, vector<16xf32>,
      tpu.vector_store %arg7[%parallel_loop3A_147, %parallel_loop3A_148], %parallel_loop3A_146 {strides = array<i32>} : memref<8x512xf32, #tpu.memory_space<vmem>>, vector<16xf32>,
      %parallel_loop3A_150 = arith.constant 144 : index
      %parallel_loop3A_151 = tpu.vector_load %arg5[%parallel_loop3A_150] {strides = array<i32>} : memref<512xi32, #tpu.memory_space<vmem>>, vector<16xi32>,
      %parallel_loop3A_152 = tpu.vector_load_idx %arg6[%parallel_loop3A_95, %parallel_loop3A_151] : memref<8x512xf32, #tpu.memory_space<vmem>>[vector<16xi32>, vector<16xi32>], vector<16xf32>,
      %parallel_loop3A_153 = arith.index_cast %parallel_loop3A_94 : i32 to index
      %parallel_loop3A_154 = arith.constant 144 : index
      %parallel_loop3A_155 = tpu.vector_load %arg7[%parallel_loop3A_153, %parallel_loop3A_154] {strides = array<i32>} : memref<8x512xf32, #tpu.memory_space<vmem>>, vector<16xf32>,
      tpu.vector_store %arg7[%parallel_loop3A_153, %parallel_loop3A_154], %parallel_loop3A_152 {strides = array<i32>} : memref<8x512xf32, #tpu.memory_space<vmem>>, vector<16xf32>,
      %parallel_loop3A_156 = arith.constant 160 : index
      %parallel_loop3A_157 = tpu.vector_load %arg5[%parallel_loop3A_156] {strides = array<i32>} : memref<512xi32, #tpu.memory_space<vmem>>, vector<16xi32>,
      %parallel_loop3A_158 = tpu.vector_load_idx %arg6[%parallel_loop3A_95, %parallel_loop3A_157] : memref<8x512xf32, #tpu.memory_space<vmem>>[vector<16xi32>, vector<16xi32>], vector<16xf32>,
      %parallel_loop3A_159 = arith.index_cast %parallel_loop3A_94 : i32 to index
      %parallel_loop3A_160 = arith.constant 160 : index
      %parallel_loop3A_161 = tpu.vector_load %arg7[%parallel_loop3A_159, %parallel_loop3A_160] {strides = array<i32>} : memref<8x512xf32, #tpu.memory_space<vmem>>, vector<16xf32>,
      tpu.vector_store %arg7[%parallel_loop3A_159, %parallel_loop3A_160], %parallel_loop3A_158 {strides = array<i32>} : memref<8x512xf32, #tpu.memory_space<vmem>>, vector<16xf32>,
      %parallel_loop3A_162 = arith.constant 176 : index
      %parallel_loop3A_163 = tpu.vector_load %arg5[%parallel_loop3A_162] {strides = array<i32>} : memref<512xi32, #tpu.memory_space<vmem>>, vector<16xi32>,
      %parallel_loop3A_164 = tpu.vector_load_idx %arg6[%parallel_loop3A_95, %parallel_loop3A_163] : memref<8x512xf32, #tpu.memory_space<vmem>>[vector<16xi32>, vector<16xi32>], vector<16xf32>,
      %parallel_loop3A_165 = arith.index_cast %parallel_loop3A_94 : i32 to index
      %parallel_loop3A_166 = arith.constant 176 : index
      %parallel_loop3A_167 = tpu.vector_load %arg7[%parallel_loop3A_165, %parallel_loop3A_166] {strides = array<i32>} : memref<8x512xf32, #tpu.memory_space<vmem>>, vector<16xf32>,
      tpu.vector_store %arg7[%parallel_loop3A_165, %parallel_loop3A_166], %parallel_loop3A_164 {strides = array<i32>} : memref<8x512xf32, #tpu.memory_space<vmem>>, vector<16xf32>,
      %parallel_loop3A_168 = arith.constant 192 : index
      %parallel_loop3A_169 = tpu.vector_load %arg5[%parallel_loop3A_168] {strides = array<i32>} : memref<512xi32, #tpu.memory_space<vmem>>, vector<16xi32>,
      %parallel_loop3A_170 = tpu.vector_load_idx %arg6[%parallel_loop3A_95, %parallel_loop3A_169] : memref<8x512xf32, #tpu.memory_space<vmem>>[vector<16xi32>, vector<16xi32>], vector<16xf32>,
      %parallel_loop3A_171 = arith.index_cast %parallel_loop3A_94 : i32 to index
      %parallel_loop3A_172 = arith.constant 192 : index
      %parallel_loop3A_173 = tpu.vector_load %arg7[%parallel_loop3A_171, %parallel_loop3A_172] {strides = array<i32>} : memref<8x512xf32, #tpu.memory_space<vmem>>, vector<16xf32>,
      tpu.vector_store %arg7[%parallel_loop3A_171, %parallel_loop3A_172], %parallel_loop3A_170 {strides = array<i32>} : memref<8x512xf32, #tpu.memory_space<vmem>>, vector<16xf32>,
      %parallel_loop3A_174 = arith.constant 208 : index
      %parallel_loop3A_175 = tpu.vector_load %arg5[%parallel_loop3A_174] {strides = array<i32>} : memref<512xi32, #tpu.memory_space<vmem>>, vector<16xi32>,
      %parallel_loop3A_176 = tpu.vector_load_idx %arg6[%parallel_loop3A_95, %parallel_loop3A_175] : memref<8x512xf32, #tpu.memory_space<vmem>>[vector<16xi32>, vector<16xi32>], vector<16xf32>,
      %parallel_loop3A_177 = arith.index_cast %parallel_loop3A_94 : i32 to index
      %parallel_loop3A_178 = arith.constant 208 : index
      %parallel_loop3A_179 = tpu.vector_load %arg7[%parallel_loop3A_177, %parallel_loop3A_178] {strides = array<i32>} : memref<8x512xf32, #tpu.memory_space<vmem>>, vector<16xf32>,
      tpu.vector_store %arg7[%parallel_loop3A_177, %parallel_loop3A_178], %parallel_loop3A_176 {strides = array<i32>} : memref<8x512xf32, #tpu.memory_space<vmem>>, vector<16xf32>,
      %parallel_loop3A_180 = arith.constant 224 : index
      %parallel_loop3A_181 = tpu.vector_load %arg5[%parallel_loop3A_180] {strides = array<i32>} : memref<512xi32, #tpu.memory_space<vmem>>, vector<16xi32>,
      %parallel_loop3A_182 = tpu.vector_load_idx %arg6[%parallel_loop3A_95, %parallel_loop3A_181] : memref<8x512xf32, #tpu.memory_space<vmem>>[vector<16xi32>, vector<16xi32>], vector<16xf32>,
      %parallel_loop3A_183 = arith.index_cast %parallel_loop3A_94 : i32 to index
      %parallel_loop3A_184 = arith.constant 224 : index
      %parallel_loop3A_185 = tpu.vector_load %arg7[%parallel_loop3A_183, %parallel_loop3A_184] {strides = array<i32>} : memref<8x512xf32, #tpu.memory_space<vmem>>, vector<16xf32>,
      tpu.vector_store %arg7[%parallel_loop3A_183, %parallel_loop3A_184], %parallel_loop3A_182 {strides = array<i32>} : memref<8x512xf32, #tpu.memory_space<vmem>>, vector<16xf32>,
      %parallel_loop3A_186 = arith.constant 240 : index
      %parallel_loop3A_187 = tpu.vector_load %arg5[%parallel_loop3A_186] {strides = array<i32>} : memref<512xi32, #tpu.memory_space<vmem>>, vector<16xi32>,
      %parallel_loop3A_188 = tpu.vector_load_idx %arg6[%parallel_loop3A_95, %parallel_loop3A_187] : memref<8x512xf32, #tpu.memory_space<vmem>>[vector<16xi32>, vector<16xi32>], vector<16xf32>,
      %parallel_loop3A_189 = arith.index_cast %parallel_loop3A_94 : i32 to index
      %parallel_loop3A_190 = arith.constant 240 : index
      %parallel_loop3A_191 = tpu.vector_load %arg7[%parallel_loop3A_189, %parallel_loop3A_190] {strides = array<i32>} : memref<8x512xf32, #tpu.memory_space<vmem>>, vector<16xf32>,
      tpu.vector_store %arg7[%parallel_loop3A_189, %parallel_loop3A_190], %parallel_loop3A_188 {strides = array<i32>} : memref<8x512xf32, #tpu.memory_space<vmem>>, vector<16xf32>,
      %parallel_loop3A_192 = arith.constant 256 : index
      %parallel_loop3A_193 = tpu.vector_load %arg5[%parallel_loop3A_192] {strides = array<i32>} : memref<512xi32, #tpu.memory_space<vmem>>, vector<16xi32>,
      %parallel_loop3A_194 = tpu.vector_load_idx %arg6[%parallel_loop3A_95, %parallel_loop3A_193] : memref<8x512xf32, #tpu.memory_space<vmem>>[vector<16xi32>, vector<16xi32>], vector<16xf32>,
      %parallel_loop3A_195 = arith.index_cast %parallel_loop3A_94 : i32 to index
      %parallel_loop3A_196 = arith.constant 256 : index
      %parallel_loop3A_197 = tpu.vector_load %arg7[%parallel_loop3A_195, %parallel_loop3A_196] {strides = array<i32>} : memref<8x512xf32, #tpu.memory_space<vmem>>, vector<16xf32>,
      tpu.vector_store %arg7[%parallel_loop3A_195, %parallel_loop3A_196], %parallel_loop3A_194 {strides = array<i32>} : memref<8x512xf32, #tpu.memory_space<vmem>>, vector<16xf32>,
      %parallel_loop3A_198 = arith.constant 272 : index
      %parallel_loop3A_199 = tpu.vector_load %arg5[%parallel_loop3A_198] {strides = array<i32>} : memref<512xi32, #tpu.memory_space<vmem>>, vector<16xi32>,
      %parallel_loop3A_200 = tpu.vector_load_idx %arg6[%parallel_loop3A_95, %parallel_loop3A_199] : memref<8x512xf32, #tpu.memory_space<vmem>>[vector<16xi32>, vector<16xi32>], vector<16xf32>,
      %parallel_loop3A_201 = arith.index_cast %parallel_loop3A_94 : i32 to index
      %parallel_loop3A_202 = arith.constant 272 : index
      %parallel_loop3A_203 = tpu.vector_load %arg7[%parallel_loop3A_201, %parallel_loop3A_202] {strides = array<i32>} : memref<8x512xf32, #tpu.memory_space<vmem>>, vector<16xf32>,
      tpu.vector_store %arg7[%parallel_loop3A_201, %parallel_loop3A_202], %parallel_loop3A_200 {strides = array<i32>} : memref<8x512xf32, #tpu.memory_space<vmem>>, vector<16xf32>,
      %parallel_loop3A_204 = arith.constant 288 : index
      %parallel_loop3A_205 = tpu.vector_load %arg5[%parallel_loop3A_204] {strides = array<i32>} : memref<512xi32, #tpu.memory_space<vmem>>, vector<16xi32>,
      %parallel_loop3A_206 = tpu.vector_load_idx %arg6[%parallel_loop3A_95, %parallel_loop3A_205] : memref<8x512xf32, #tpu.memory_space<vmem>>[vector<16xi32>, vector<16xi32>], vector<16xf32>,
      %parallel_loop3A_207 = arith.index_cast %parallel_loop3A_94 : i32 to index
      %parallel_loop3A_208 = arith.constant 288 : index
      %parallel_loop3A_209 = tpu.vector_load %arg7[%parallel_loop3A_207, %parallel_loop3A_208] {strides = array<i32>} : memref<8x512xf32, #tpu.memory_space<vmem>>, vector<16xf32>,
      tpu.vector_store %arg7[%parallel_loop3A_207, %parallel_loop3A_208], %parallel_loop3A_206 {strides = array<i32>} : memref<8x512xf32, #tpu.memory_space<vmem>>, vector<16xf32>,
      %parallel_loop3A_210 = arith.constant 304 : index
      %parallel_loop3A_211 = tpu.vector_load %arg5[%parallel_loop3A_210] {strides = array<i32>} : memref<512xi32, #tpu.memory_space<vmem>>, vector<16xi32>,
      %parallel_loop3A_212 = tpu.vector_load_idx %arg6[%parallel_loop3A_95, %parallel_loop3A_211] : memref<8x512xf32, #tpu.memory_space<vmem>>[vector<16xi32>, vector<16xi32>], vector<16xf32>,
      %parallel_loop3A_213 = arith.index_cast %parallel_loop3A_94 : i32 to index
      %parallel_loop3A_214 = arith.constant 304 : index
      %parallel_loop3A_215 = tpu.vector_load %arg7[%parallel_loop3A_213, %parallel_loop3A_214] {strides = array<i32>} : memref<8x512xf32, #tpu.memory_space<vmem>>, vector<16xf32>,
      tpu.vector_store %arg7[%parallel_loop3A_213, %parallel_loop3A_214], %parallel_loop3A_212 {strides = array<i32>} : memref<8x512xf32, #tpu.memory_space<vmem>>, vector<16xf32>,
      %parallel_loop3A_216 = arith.constant 320 : index
      %parallel_loop3A_217 = tpu.vector_load %arg5[%parallel_loop3A_216] {strides = array<i32>} : memref<512xi32, #tpu.memory_space<vmem>>, vector<16xi32>,
      %parallel_loop3A_218 = tpu.vector_load_idx %arg6[%parallel_loop3A_95, %parallel_loop3A_217] : memref<8x512xf32, #tpu.memory_space<vmem>>[vector<16xi32>, vector<16xi32>], vector<16xf32>,
      %parallel_loop3A_219 = arith.index_cast %parallel_loop3A_94 : i32 to index
      %parallel_loop3A_220 = arith.constant 320 : index
      %parallel_loop3A_221 = tpu.vector_load %arg7[%parallel_loop3A_219, %parallel_loop3A_220] {strides = array<i32>} : memref<8x512xf32, #tpu.memory_space<vmem>>, vector<16xf32>,
      tpu.vector_store %arg7[%parallel_loop3A_219, %parallel_loop3A_220], %parallel_loop3A_218 {strides = array<i32>} : memref<8x512xf32, #tpu.memory_space<vmem>>, vector<16xf32>,
      %parallel_loop3A_222 = arith.constant 336 : index
      %parallel_loop3A_223 = tpu.vector_load %arg5[%parallel_loop3A_222] {strides = array<i32>} : memref<512xi32, #tpu.memory_space<vmem>>, vector<16xi32>,
      %parallel_loop3A_224 = tpu.vector_load_idx %arg6[%parallel_loop3A_95, %parallel_loop3A_223] : memref<8x512xf32, #tpu.memory_space<vmem>>[vector<16xi32>, vector<16xi32>], vector<16xf32>,
      %parallel_loop3A_225 = arith.index_cast %parallel_loop3A_94 : i32 to index
      %parallel_loop3A_226 = arith.constant 336 : index
      %parallel_loop3A_227 = tpu.vector_load %arg7[%parallel_loop3A_225, %parallel_loop3A_226] {strides = array<i32>} : memref<8x512xf32, #tpu.memory_space<vmem>>, vector<16xf32>,
      tpu.vector_store %arg7[%parallel_loop3A_225, %parallel_loop3A_226], %parallel_loop3A_224 {strides = array<i32>} : memref<8x512xf32, #tpu.memory_space<vmem>>, vector<16xf32>,
      %parallel_loop3A_228 = arith.constant 352 : index
      %parallel_loop3A_229 = tpu.vector_load %arg5[%parallel_loop3A_228] {strides = array<i32>} : memref<512xi32, #tpu.memory_space<vmem>>, vector<16xi32>,
      %parallel_loop3A_230 = tpu.vector_load_idx %arg6[%parallel_loop3A_95, %parallel_loop3A_229] : memref<8x512xf32, #tpu.memory_space<vmem>>[vector<16xi32>, vector<16xi32>], vector<16xf32>,
      %parallel_loop3A_231 = arith.index_cast %parallel_loop3A_94 : i32 to index
      %parallel_loop3A_232 = arith.constant 352 : index
      %parallel_loop3A_233 = tpu.vector_load %arg7[%parallel_loop3A_231, %parallel_loop3A_232] {strides = array<i32>} : memref<8x512xf32, #tpu.memory_space<vmem>>, vector<16xf32>,
      tpu.vector_store %arg7[%parallel_loop3A_231, %parallel_loop3A_232], %parallel_loop3A_230 {strides = array<i32>} : memref<8x512xf32, #tpu.memory_space<vmem>>, vector<16xf32>,
      %parallel_loop3A_234 = arith.constant 368 : index
      %parallel_loop3A_235 = tpu.vector_load %arg5[%parallel_loop3A_234] {strides = array<i32>} : memref<512xi32, #tpu.memory_space<vmem>>, vector<16xi32>,
      %parallel_loop3A_236 = tpu.vector_load_idx %arg6[%parallel_loop3A_95, %parallel_loop3A_235] : memref<8x512xf32, #tpu.memory_space<vmem>>[vector<16xi32>, vector<16xi32>], vector<16xf32>,
      %parallel_loop3A_237 = arith.index_cast %parallel_loop3A_94 : i32 to index
      %parallel_loop3A_238 = arith.constant 368 : index
      %parallel_loop3A_239 = tpu.vector_load %arg7[%parallel_loop3A_237, %parallel_loop3A_238] {strides = array<i32>} : memref<8x512xf32, #tpu.memory_space<vmem>>, vector<16xf32>,
      tpu.vector_store %arg7[%parallel_loop3A_237, %parallel_loop3A_238], %parallel_loop3A_236 {strides = array<i32>} : memref<8x512xf32, #tpu.memory_space<vmem>>, vector<16xf32>,
      %parallel_loop3A_240 = arith.constant 384 : index
      %parallel_loop3A_241 = tpu.vector_load %arg5[%parallel_loop3A_240] {strides = array<i32>} : memref<512xi32, #tpu.memory_space<vmem>>, vector<16xi32>,
      %parallel_loop3A_242 = tpu.vector_load_idx %arg6[%parallel_loop3A_95, %parallel_loop3A_241] : memref<8x512xf32, #tpu.memory_space<vmem>>[vector<16xi32>, vector<16xi32>], vector<16xf32>,
      %parallel_loop3A_243 = arith.index_cast %parallel_loop3A_94 : i32 to index
      %parallel_loop3A_244 = arith.constant 384 : index
      %parallel_loop3A_245 = tpu.vector_load %arg7[%parallel_loop3A_243, %parallel_loop3A_244] {strides = array<i32>} : memref<8x512xf32, #tpu.memory_space<vmem>>, vector<16xf32>,
      tpu.vector_store %arg7[%parallel_loop3A_243, %parallel_loop3A_244], %parallel_loop3A_242 {strides = array<i32>} : memref<8x512xf32, #tpu.memory_space<vmem>>, vector<16xf32>,
      %parallel_loop3A_246 = arith.constant 400 : index
      %parallel_loop3A_247 = tpu.vector_load %arg5[%parallel_loop3A_246] {strides = array<i32>} : memref<512xi32, #tpu.memory_space<vmem>>, vector<16xi32>,
      %parallel_loop3A_248 = tpu.vector_load_idx %arg6[%parallel_loop3A_95, %parallel_loop3A_247] : memref<8x512xf32, #tpu.memory_space<vmem>>[vector<16xi32>, vector<16xi32>], vector<16xf32>,
      %parallel_loop3A_249 = arith.index_cast %parallel_loop3A_94 : i32 to index
      %parallel_loop3A_250 = arith.constant 400 : index
      %parallel_loop3A_251 = tpu.vector_load %arg7[%parallel_loop3A_249, %parallel_loop3A_250] {strides = array<i32>} : memref<8x512xf32, #tpu.memory_space<vmem>>, vector<16xf32>,
      tpu.vector_store %arg7[%parallel_loop3A_249, %parallel_loop3A_250], %parallel_loop3A_248 {strides = array<i32>} : memref<8x512xf32, #tpu.memory_space<vmem>>, vector<16xf32>,
      %parallel_loop3A_252 = arith.constant 416 : index
      %parallel_loop3A_253 = tpu.vector_load %arg5[%parallel_loop3A_252] {strides = array<i32>} : memref<512xi32, #tpu.memory_space<vmem>>, vector<16xi32>,
      %parallel_loop3A_254 = tpu.vector_load_idx %arg6[%parallel_loop3A_95, %parallel_loop3A_253] : memref<8x512xf32, #tpu.memory_space<vmem>>[vector<16xi32>, vector<16xi32>], vector<16xf32>,
      %parallel_loop3A_255 = arith.index_cast %parallel_loop3A_94 : i32 to index
      %parallel_loop3A_256 = arith.constant 416 : index
      %parallel_loop3A_257 = tpu.vector_load %arg7[%parallel_loop3A_255, %parallel_loop3A_256] {strides = array<i32>} : memref<8x512xf32, #tpu.memory_space<vmem>>, vector<16xf32>,
      tpu.vector_store %arg7[%parallel_loop3A_255, %parallel_loop3A_256], %parallel_loop3A_254 {strides = array<i32>} : memref<8x512xf32, #tpu.memory_space<vmem>>, vector<16xf32>,
      %parallel_loop3A_258 = arith.constant 432 : index
      %parallel_loop3A_259 = tpu.vector_load %arg5[%parallel_loop3A_258] {strides = array<i32>} : memref<512xi32, #tpu.memory_space<vmem>>, vector<16xi32>,
      %parallel_loop3A_260 = tpu.vector_load_idx %arg6[%parallel_loop3A_95, %parallel_loop3A_259] : memref<8x512xf32, #tpu.memory_space<vmem>>[vector<16xi32>, vector<16xi32>], vector<16xf32>,
      %parallel_loop3A_261 = arith.index_cast %parallel_loop3A_94 : i32 to index
      %parallel_loop3A_262 = arith.constant 432 : index
      %parallel_loop3A_263 = tpu.vector_load %arg7[%parallel_loop3A_261, %parallel_loop3A_262] {strides = array<i32>} : memref<8x512xf32, #tpu.memory_space<vmem>>, vector<16xf32>,
      tpu.vector_store %arg7[%parallel_loop3A_261, %parallel_loop3A_262], %parallel_loop3A_260 {strides = array<i32>} : memref<8x512xf32, #tpu.memory_space<vmem>>, vector<16xf32>,
      %parallel_loop3A_264 = arith.constant 448 : index
      %parallel_loop3A_265 = tpu.vector_load %arg5[%parallel_loop3A_264] {strides = array<i32>} : memref<512xi32, #tpu.memory_space<vmem>>, vector<16xi32>,
      %parallel_loop3A_266 = tpu.vector_load_idx %arg6[%parallel_loop3A_95, %parallel_loop3A_265] : memref<8x512xf32, #tpu.memory_space<vmem>>[vector<16xi32>, vector<16xi32>], vector<16xf32>,
      %parallel_loop3A_267 = arith.index_cast %parallel_loop3A_94 : i32 to index
      %parallel_loop3A_268 = arith.constant 448 : index
      %parallel_loop3A_269 = tpu.vector_load %arg7[%parallel_loop3A_267, %parallel_loop3A_268] {strides = array<i32>} : memref<8x512xf32, #tpu.memory_space<vmem>>, vector<16xf32>,
      tpu.vector_store %arg7[%parallel_loop3A_267, %parallel_loop3A_268], %parallel_loop3A_266 {strides = array<i32>} : memref<8x512xf32, #tpu.memory_space<vmem>>, vector<16xf32>,
      %parallel_loop3A_270 = arith.constant 464 : index
      %parallel_loop3A_271 = tpu.vector_load %arg5[%parallel_loop3A_270] {strides = array<i32>} : memref<512xi32, #tpu.memory_space<vmem>>, vector<16xi32>,
      %parallel_loop3A_272 = tpu.vector_load_idx %arg6[%parallel_loop3A_95, %parallel_loop3A_271] : memref<8x512xf32, #tpu.memory_space<vmem>>[vector<16xi32>, vector<16xi32>], vector<16xf32>,
      %parallel_loop3A_273 = arith.index_cast %parallel_loop3A_94 : i32 to index
      %parallel_loop3A_274 = arith.constant 464 : index
      %parallel_loop3A_275 = tpu.vector_load %arg7[%parallel_loop3A_273, %parallel_loop3A_274] {strides = array<i32>} : memref<8x512xf32, #tpu.memory_space<vmem>>, vector<16xf32>,
      tpu.vector_store %arg7[%parallel_loop3A_273, %parallel_loop3A_274], %parallel_loop3A_272 {strides = array<i32>} : memref<8x512xf32, #tpu.memory_space<vmem>>, vector<16xf32>,
      %parallel_loop3A_276 = arith.constant 480 : index
      %parallel_loop3A_277 = tpu.vector_load %arg5[%parallel_loop3A_276] {strides = array<i32>} : memref<512xi32, #tpu.memory_space<vmem>>, vector<16xi32>,
      %parallel_loop3A_278 = tpu.vector_load_idx %arg6[%parallel_loop3A_95, %parallel_loop3A_277] : memref<8x512xf32, #tpu.memory_space<vmem>>[vector<16xi32>, vector<16xi32>], vector<16xf32>,
      %parallel_loop3A_279 = arith.index_cast %parallel_loop3A_94 : i32 to index
      %parallel_loop3A_280 = arith.constant 480 : index
      %parallel_loop3A_281 = tpu.vector_load %arg7[%parallel_loop3A_279, %parallel_loop3A_280] {strides = array<i32>} : memref<8x512xf32, #tpu.memory_space<vmem>>, vector<16xf32>,
      tpu.vector_store %arg7[%parallel_loop3A_279, %parallel_loop3A_280], %parallel_loop3A_278 {strides = array<i32>} : memref<8x512xf32, #tpu.memory_space<vmem>>, vector<16xf32>,
      %parallel_loop3A_282 = arith.constant 496 : index
      %parallel_loop3A_283 = tpu.vector_load %arg5[%parallel_loop3A_282] {strides = array<i32>} : memref<512xi32, #tpu.memory_space<vmem>>, vector<16xi32>,
      %parallel_loop3A_284 = tpu.vector_load_idx %arg6[%parallel_loop3A_95, %parallel_loop3A_283] : memref<8x512xf32, #tpu.memory_space<vmem>>[vector<16xi32>, vector<16xi32>], vector<16xf32>,
      %parallel_loop3A_285 = arith.index_cast %parallel_loop3A_94 : i32 to index
      %parallel_loop3A_286 = arith.constant 496 : index
      %parallel_loop3A_287 = tpu.vector_load %arg7[%parallel_loop3A_285, %parallel_loop3A_286] {strides = array<i32>} : memref<8x512xf32, #tpu.memory_space<vmem>>, vector<16xf32>,
      tpu.vector_store %arg7[%parallel_loop3A_285, %parallel_loop3A_286], %parallel_loop3A_284 {strides = array<i32>} : memref<8x512xf32, #tpu.memory_space<vmem>>, vector<16xf32>,
    } {sc.loop_unroll_factor = 8 : i64, sc.parallel_access}
    %mul3A_90 = arith.constant 8 : i32
    %mul3A_91 = arith.muli %select_n3A_54, %mul3A_90 : i32
    %mul3A_92 = arith.constant 512 : i32
    %mul3A_93 = arith.muli %select_n3A_70, %mul3A_92 : i32
    "tpu.region"() ({
      %run_scoped3A = tpu.sem_alloc : memref<!tpu.dma_semaphore, #tpu.memory_space<semaphore_mem>>
      %dma_start3A_94 = tpu.memref_slice %arg4[%select_n3A, %mul3A_91, %mul3A_93] : memref<2x64x1024xf32, #tpu.memory_space<hbm>> -> memref<1x8x512xf32, #tpu.memory_space<hbm>>
      %dma_start3A_95 = tpu.memref_squeeze %dma_start3A_94 : memref<1x8x512xf32, #tpu.memory_space<hbm>> -> memref<8x512xf32, #tpu.memory_space<hbm>>
      %dma_start3A_96 = tpu.memref_slice %arg4[%select_n3A, %mul3A_91, %mul3A_93] : memref<2x64x1024xf32, #tpu.memory_space<hbm>> -> memref<1x8x512xf32, #tpu.memory_space<hbm>>
      %dma_start3A_97 = tpu.memref_squeeze %dma_start3A_96 : memref<1x8x512xf32, #tpu.memory_space<hbm>> -> memref<8x512xf32, #tpu.memory_space<hbm>>
      tpu.enqueue_dma source(%arg7 : memref<8x512xf32, #tpu.memory_space<vmem>>) target(%dma_start3A_97 : memref<8x512xf32, #tpu.memory_space<hbm>>) target_semaphore(%run_scoped3A : memref<!tpu.dma_semaphore, #tpu.memory_space<semaphore_mem>>)
      %dma_wait3A_98 = tpu.memref_slice %arg4[%select_n3A, %mul3A_91, %mul3A_93] : memref<2x64x1024xf32, #tpu.memory_space<hbm>> -> memref<1x8x512xf32, #tpu.memory_space<hbm>>
      %dma_wait3A_99 = tpu.memref_squeeze %dma_wait3A_98 : memref<1x8x512xf32, #tpu.memory_space<hbm>> -> memref<8x512xf32, #tpu.memory_space<hbm>>
      %dma_wait3A_100 = tpu.memref_slice %arg4[%select_n3A, %mul3A_91, %mul3A_93] : memref<2x64x1024xf32, #tpu.memory_space<hbm>> -> memref<1x8x512xf32, #tpu.memory_space<hbm>>
      %dma_wait3A_101 = tpu.memref_squeeze %dma_wait3A_100 : memref<1x8x512xf32, #tpu.memory_space<hbm>> -> memref<8x512xf32, #tpu.memory_space<hbm>>
      tpu.wait_dma2 semaphore(%run_scoped3A : memref<!tpu.dma_semaphore, #tpu.memory_space<semaphore_mem>>) src(%arg7 : memref<8x512xf32, #tpu.memory_space<vmem>>) dst(%dma_wait3A_101 : memref<8x512xf32, #tpu.memory_space<hbm>>)
      tpu.yield
    }) : () -> ()
    return
  }
}

module attributes {stable_mosaic.version = 14 : i64} {
  func.func @_tc_body(%arg0: memref<2x192x1024xf32, #tpu.memory_space<vmem>>, %arg1: memref<64x192xf32, #tpu.memory_space<vmem>>, %arg2: memref<512x64xf32, #tpu.memory_space<vmem>>, %arg3: memref<1x2048xi32, #tpu.memory_space<vmem>>, %arg4: memref<64x512xf32, #tpu.memory_space<vmem>>) attributes {dimension_semantics = [], scalar_prefetch = 0 : i64, scratch_operands = 0 : i64, tpu.core_type = #tpu.core_type<tc>} {
    %get3A = arith.constant 0 : index
    %get3A_0 = arith.constant 0 : index
    %get3A_1 = vector.load %arg1[%get3A, %get3A_0] : memref<64x192xf32, #tpu.memory_space<vmem>>, vector<64x192xf32>
    %get3A_2 = arith.constant 0 : index
    %get3A_3 = arith.constant 0 : index
    %get3A_4 = vector.load %arg2[%get3A_2, %get3A_3] : memref<512x64xf32, #tpu.memory_space<vmem>>, vector<512x64xf32>
    %convert_element_type3A = arith.truncf %get3A_1 : vector<64x192xf32> to vector<64x192xbf16>
    %get3A_5 = arith.constant 0 : index
    %get3A_6 = arith.constant 0 : index
    %get3A_7 = arith.constant 0 : index
    %get3A_8 = vector.load %arg0[%get3A_5, %get3A_6, %get3A_7] : memref<2x192x1024xf32, #tpu.memory_space<vmem>>, vector<1x192x1024xf32>
    %get3A_9 = vector.shape_cast %get3A_8 : vector<1x192x1024xf32> to vector<192x1024xf32>
    %get3A_10 = arith.constant 1 : index
    %get3A_11 = arith.constant 0 : index
    %get3A_12 = arith.constant 0 : index
    %get3A_13 = vector.load %arg0[%get3A_10, %get3A_11, %get3A_12] : memref<2x192x1024xf32, #tpu.memory_space<vmem>>, vector<1x192x1024xf32>
    %get3A_14 = vector.shape_cast %get3A_13 : vector<1x192x1024xf32> to vector<192x1024xf32>
    %concatenate3A = tpu.concatenate %get3A_9, %get3A_14 in 1 : vector<192x1024xf32>, vector<192x1024xf32> -> vector<192x2048xf32>
    %convert_element_type3A_15 = arith.truncf %concatenate3A : vector<192x2048xf32> to vector<192x2048xbf16>
    %dot_general3A = arith.constant dense<0.000000e+00> : vector<64x2048xf32>
    %dot_general3A_16 = tpu.matmul %convert_element_type3A, %convert_element_type3A_15, %dot_general3A {dimension_numbers = #tpu.dot_dimension_numbers<[1], [0], [0], [1], [0, 0, 1, 1], [], []>, transpose_lhs_hint = false} : vector<64x192xbf16>, vector<192x2048xbf16>, vector<64x2048xf32> -> vector<64x2048xf32>
    %dot_general3A_17 = arith.constant dense<0.000000e+00> : vector<512x2048xf32>
    %dot_general3A_18 = tpu.matmul %get3A_4, %dot_general3A_16, %dot_general3A_17 {dimension_numbers = #tpu.dot_dimension_numbers<[1], [0], [0], [1], [0, 0, 1, 1], [], []>, precision = #tpu.contract_precision<fp32>, transpose_lhs_hint = false} : vector<512x64xf32>, vector<64x2048xf32>, vector<512x2048xf32> -> vector<512x2048xf32>
    %mul3A = arith.mulf %get3A_4, %get3A_4 : vector<512x64xf32>
    %reduce_sum3A = arith.constant dense<0.000000e+00> : vector<512xf32>
    %reduce_sum3A_19 = vector.multi_reduction <add>, %mul3A, %reduce_sum3A [1] : vector<512x64xf32> to vector<512xf32>
    %broadcast_in_dim3A = vector.shape_cast %reduce_sum3A_19 : vector<512xf32> to vector<512x1xf32>
    %mul3A_20 = arith.constant 5.000000e-01 : f32
    %mul3A_21 = vector.broadcast %mul3A_20 : f32 to vector<512x1xf32>
    %mul3A_22 = arith.mulf %mul3A_21, %broadcast_in_dim3A : vector<512x1xf32>
    %sub3A = vector.broadcast %mul3A_22 : vector<512x1xf32> to vector<512x2048xf32>
    %sub3A_23 = arith.subf %sub3A, %dot_general3A_18 : vector<512x2048xf32>
    %iota3A = tpu.iota {dimensions = array<i32: 0>} : vector<512x2048xi32>
    %argmin3A = tpu.reduce_index %sub3A_23 {axis = 0 : i32, kind = #tpu.reduction_kind<arg_min>} : vector<512x2048xf32> -> vector<2048xi32>
    %broadcast_in_dim3A_24 = vector.shape_cast %argmin3A : vector<2048xi32> to vector<1x2048xi32>
    %eq3A = vector.broadcast %broadcast_in_dim3A_24 : vector<1x2048xi32> to vector<512x2048xi32>
    %eq3A_25 = arith.cmpi eq, %iota3A, %eq3A : vector<512x2048xi32>
    %jit3A = arith.constant 0x7F800000 : f32
    %broadcast_in_dim3A_26 = vector.broadcast %jit3A : f32 to vector<512x2048xf32>
    %select_n3A = arith.select %eq3A_25, %broadcast_in_dim3A_26, %sub3A_23 : vector<512x2048xi1>, vector<512x2048xf32>
    %argmin3A_27 = tpu.reduce_index %select_n3A {axis = 0 : i32, kind = #tpu.reduction_kind<arg_min>} : vector<512x2048xf32> -> vector<2048xi32>
    %broadcast_in_dim3A_28 = vector.shape_cast %argmin3A_27 : vector<2048xi32> to vector<1x2048xi32>
    %eq3A_29 = vector.broadcast %broadcast_in_dim3A_24 : vector<1x2048xi32> to vector<512x2048xi32>
    %eq3A_30 = arith.cmpi eq, %iota3A, %eq3A_29 : vector<512x2048xi32>
    %convert_element_type3A_31 = arith.extui %eq3A_30 : vector<512x2048xi1> to vector<512x2048xi32>
    %convert_element_type3A_32 = arith.sitofp %convert_element_type3A_31 : vector<512x2048xi32> to vector<512x2048xf32>
    %convert_element_type3A_33 = arith.truncf %convert_element_type3A_32 : vector<512x2048xf32> to vector<512x2048xbf16>
    %eq3A_34 = vector.broadcast %broadcast_in_dim3A_28 : vector<1x2048xi32> to vector<512x2048xi32>
    %eq3A_35 = arith.cmpi eq, %iota3A, %eq3A_34 : vector<512x2048xi32>
    %convert_element_type3A_36 = arith.extui %eq3A_35 : vector<512x2048xi1> to vector<512x2048xi32>
    %convert_element_type3A_37 = arith.sitofp %convert_element_type3A_36 : vector<512x2048xi32> to vector<512x2048xf32>
    %convert_element_type3A_38 = arith.truncf %convert_element_type3A_37 : vector<512x2048xf32> to vector<512x2048xbf16>
    %convert_element_type3A_39 = arith.truncf %get3A_4 : vector<512x64xf32> to vector<512x64xbf16>
    %convert_element_type3A_40 = arith.extf %convert_element_type3A_39 : vector<512x64xbf16> to vector<512x64xf32>
    %sub3A_41 = arith.subf %get3A_4, %convert_element_type3A_40 : vector<512x64xf32>
    %convert_element_type3A_42 = arith.truncf %sub3A_41 : vector<512x64xf32> to vector<512x64xbf16>
    %convert_element_type3A_43 = arith.extf %convert_element_type3A_42 : vector<512x64xbf16> to vector<512x64xf32>
    %sub3A_44 = arith.subf %sub3A_41, %convert_element_type3A_43 : vector<512x64xf32>
    %convert_element_type3A_45 = arith.truncf %sub3A_44 : vector<512x64xf32> to vector<512x64xbf16>
    %dot_general3A_46 = arith.constant dense<0.000000e+00> : vector<64x2048xf32>
    %dot_general3A_47 = tpu.matmul %convert_element_type3A_39, %convert_element_type3A_33, %dot_general3A_46 {dimension_numbers = #tpu.dot_dimension_numbers<[0], [0], [1], [1], [0, 1, 1, 1], [], []>, transpose_lhs_hint = false} : vector<512x64xbf16>, vector<512x2048xbf16>, vector<64x2048xf32> -> vector<64x2048xf32>
    %dot_general3A_48 = arith.constant dense<0.000000e+00> : vector<64x2048xf32>
    %dot_general3A_49 = tpu.matmul %convert_element_type3A_42, %convert_element_type3A_33, %dot_general3A_48 {dimension_numbers = #tpu.dot_dimension_numbers<[0], [0], [1], [1], [0, 1, 1, 1], [], []>, transpose_lhs_hint = false} : vector<512x64xbf16>, vector<512x2048xbf16>, vector<64x2048xf32> -> vector<64x2048xf32>
    %dot_general3A_50 = arith.constant dense<0.000000e+00> : vector<64x2048xf32>
    %dot_general3A_51 = tpu.matmul %convert_element_type3A_45, %convert_element_type3A_33, %dot_general3A_50 {dimension_numbers = #tpu.dot_dimension_numbers<[0], [0], [1], [1], [0, 1, 1, 1], [], []>, transpose_lhs_hint = false} : vector<512x64xbf16>, vector<512x2048xbf16>, vector<64x2048xf32> -> vector<64x2048xf32>
    %add3A = arith.addf %dot_general3A_47, %dot_general3A_49 : vector<64x2048xf32>
    %add3A_52 = arith.addf %add3A, %dot_general3A_51 : vector<64x2048xf32>
    %dot_general3A_53 = arith.constant dense<0.000000e+00> : vector<64x2048xf32>
    %dot_general3A_54 = tpu.matmul %convert_element_type3A_39, %convert_element_type3A_38, %dot_general3A_53 {dimension_numbers = #tpu.dot_dimension_numbers<[0], [0], [1], [1], [0, 1, 1, 1], [], []>, transpose_lhs_hint = false} : vector<512x64xbf16>, vector<512x2048xbf16>, vector<64x2048xf32> -> vector<64x2048xf32>
    %dot_general3A_55 = arith.constant dense<0.000000e+00> : vector<64x2048xf32>
    %dot_general3A_56 = tpu.matmul %convert_element_type3A_42, %convert_element_type3A_38, %dot_general3A_55 {dimension_numbers = #tpu.dot_dimension_numbers<[0], [0], [1], [1], [0, 1, 1, 1], [], []>, transpose_lhs_hint = false} : vector<512x64xbf16>, vector<512x2048xbf16>, vector<64x2048xf32> -> vector<64x2048xf32>
    %dot_general3A_57 = arith.constant dense<0.000000e+00> : vector<64x2048xf32>
    %dot_general3A_58 = tpu.matmul %convert_element_type3A_45, %convert_element_type3A_38, %dot_general3A_57 {dimension_numbers = #tpu.dot_dimension_numbers<[0], [0], [1], [1], [0, 1, 1, 1], [], []>, transpose_lhs_hint = false} : vector<512x64xbf16>, vector<512x2048xbf16>, vector<64x2048xf32> -> vector<64x2048xf32>
    %add3A_59 = arith.addf %dot_general3A_54, %dot_general3A_56 : vector<64x2048xf32>
    %add3A_60 = arith.addf %add3A_59, %dot_general3A_58 : vector<64x2048xf32>
    %sub3A_61 = arith.subf %dot_general3A_16, %add3A_52 : vector<64x2048xf32>
    %integer_pow3A = arith.mulf %sub3A_61, %sub3A_61 : vector<64x2048xf32>
    %reduce_sum3A_62 = arith.constant dense<0.000000e+00> : vector<2048xf32>
    %reduce_sum3A_63 = vector.multi_reduction <add>, %integer_pow3A, %reduce_sum3A_62 [0] : vector<64x2048xf32> to vector<2048xf32>
    %broadcast_in_dim3A_64 = vector.shape_cast %reduce_sum3A_63 : vector<2048xf32> to vector<1x2048xf32>
    %sub3A_65 = arith.subf %dot_general3A_16, %add3A_60 : vector<64x2048xf32>
    %integer_pow3A_66 = arith.mulf %sub3A_65, %sub3A_65 : vector<64x2048xf32>
    %reduce_sum3A_67 = arith.constant dense<0.000000e+00> : vector<2048xf32>
    %reduce_sum3A_68 = vector.multi_reduction <add>, %integer_pow3A_66, %reduce_sum3A_67 [0] : vector<64x2048xf32> to vector<2048xf32>
    %broadcast_in_dim3A_69 = vector.shape_cast %reduce_sum3A_68 : vector<2048xf32> to vector<1x2048xf32>
    %lt3A = arith.cmpf olt, %broadcast_in_dim3A_69, %broadcast_in_dim3A_64 : vector<1x2048xf32>
    %eq3A_70 = arith.cmpf oeq, %broadcast_in_dim3A_69, %broadcast_in_dim3A_64 : vector<1x2048xf32>
    %lt3A_71 = arith.cmpi slt, %broadcast_in_dim3A_28, %broadcast_in_dim3A_24 : vector<1x2048xi32>
    %and3A = arith.andi %eq3A_70, %lt3A_71 : vector<1x2048xi1>
    %or3A = arith.ori %lt3A, %and3A : vector<1x2048xi1>
    %select_n3A_72 = arith.select %or3A, %broadcast_in_dim3A_28, %broadcast_in_dim3A_24 : vector<1x2048xi1>, vector<1x2048xi32>
    %swap3A = arith.constant 0 : index
    %swap3A_73 = arith.constant 0 : index
    %swap3A_74 = vector.load %arg3[%swap3A, %swap3A_73] : memref<1x2048xi32, #tpu.memory_space<vmem>>, vector<1x2048xi32>
    tpu.vector_store %arg3[%swap3A, %swap3A_73], %select_n3A_72 {strides = array<i32>} : memref<1x2048xi32, #tpu.memory_space<vmem>>, vector<1x2048xi32>,
    %transpose3A = tpu.transpose %get3A_4, [1, 0] : vector<512x64xf32> -> vector<64x512xf32>
    %swap3A_75 = arith.constant 0 : index
    %swap3A_76 = arith.constant 0 : index
    %swap3A_77 = vector.load %arg4[%swap3A_75, %swap3A_76] : memref<64x512xf32, #tpu.memory_space<vmem>>, vector<64x512xf32>
    tpu.vector_store %arg4[%swap3A_75, %swap3A_76], %transpose3A {strides = array<i32>} : memref<64x512xf32, #tpu.memory_space<vmem>>, vector<64x512xf32>,
    return
  }
}

</mosaic_0001>

<sc_bundles>
// kernel: kernel.4.cloned.1.call-start
scs
__scs_entry_jumppad:
0x0: {  	(pc) =	sbr.rel $0x88, $3  }
0x1: {  	(tag) =	ssettag $0x0;
	lr =	simm.s32 $0x1  }
0x2: {  	[smem:$0x3F9E] =	sst lr;
	_ =	strace $0xD0000000  }
0x3: {  	_ = 	snop  }
0x4: {  	_ = 	snop  }
0x5: {  	_ = 	snop  }
0x6: {  	_ = 	snop  }
0x7: {  	_ = 	snop  }
__scs_overlays_trampoline_lowered:
0x8: {  	[smem:$0x3FAD] =	sst s0  }
0x9: {  	[smem:$0x3FAE] =	sst s1  }
0xa: {  	[smem:$0x3FAF] =	sst s2  }
0xb: {  	[smem:$0x3FB0] =	sst s3  }
0xc: {  	[smem:$0x3FB1] =	sst s4  }
0xd: {  	[smem:$0x3FB2] =	sst s5  }
0xe: {  	[smem:$0x3FB3] =	sst s6  }
0xf: {  	[smem:$0x3FB4] =	sst s7  }
0x10: {  	[smem:$0x3FB5] =	sst s8  }
0x11: {  	[smem:$0x3FB6] =	sst s9;
	s0 =	simm.s32 @!p0 $0x0  }
0x12: {  	s1 =	sld [smem:$0x3F9C];
	s0 =	simm.s32 @p0 $0x1  }
0x13: {  	[smem:$0x3FB7] =	sst s0;
	s0 =	simm.s32 @!p1 $0x0  }
0x14: {  	s2 =	sld [smem:$0x3F9B];
	s0 =	simm.s32 @p1 $0x1  }
0x15: {  	[smem:$0x3FB8] =	sst s0;
	s0 =	simm.s32 @!p2 $0x0  }
0x16: {  	s3 =	sld [smem:$0x3FDB];
	s0 =	simm.s32 @p2 $0x1  }
0x17: {  	s4 =	simm.s32 $0x1BF5;
	[smem:$0x3FBA] =	sst s0  }
0x18: {  	s0 =	sld [smem:$0x3F9D];
	_ =	swait.ge [sflag:s4], $0x0  }
0x19: {  	s7 =	sld [smem:$0x3F9E]  }
0x1a: {  	s8 =	sadd.s32 $0xFFFFE003, lr  }
0x1b: {  	s9 =	sadd.s32 $0xFFFFFEF7, lr;
	s5 =	simm.s32 $0xFFFFFFFF;
	p2 =	slt.u32 s8, $0xFFFFF086  }
0x1c: {  	p1 =	slt.u32 s9, $0xF7A;
	s5 =	simm.s32 @!p2 $0x0  }
0x1d: {  	s5 =	simm.s32 @p1 $0x1;
	p0 =	seq.s32 s7, s2  }
0x1e: {  	s7 =	smul.u32 @!p0 $0xF7A, s2;
	p2 =	seq.s32 @!p0 s5, $0x0  }
0x1f: {  	s9 =	smul.u32 $0xF7A, s1;
	s8 =	simm.s32 @!p0 $0x1BF5;
	p2 =	por !p2, p0  }
0x20: {  	[sflag:s8] =	ssyncset.s32 @!p0 $0xFFFFF086;
	s6 =	sadd.s32 @!p0 s3, s7;
	s7 =	simm.s32 @!p0 $0x108  }
0x21: {  	s3 =	sadd.s32 s3, s9;
	s6 =	sadd.s32 @!p0 $0x88, s6;
	s7 =	simm.s32 @p2 $0x1082  }
0x22: {  	[simem:s7], [sflag:s8] =	dma.local @!p0 [hbm:s6], $0xF7A  }
0x23: {  	s9 =	sor.u32 $0xD0000000, s2;
	s6 =	simm.s32 $0x108;
	_ =	swait.ge @!p0 [sflag:s8], $0x0  }
0x24: {  	s3 =	sadd.s32 $0x88, s3;
	s6 =	simm.s32 @!p1 $0x1082;
	[sflag:s4] =	ssyncset.s32 $0xFFFFF086  }
0x25: {  	[simem:s6], [sflag:s4] =	dma.local [hbm:s3], $0xF7A  }
0x26: {  	[smem:$0x3F9E] =	sst s1;
	(tag) =	ssettag s2;
	_ =	strace s9  }
0x27: {  	s1 =	sld [smem:$0x3FAE]  }
0x28: {  	s2 =	sld [smem:$0x3FAF]  }
0x29: {  	s4 =	sld [smem:$0x3FB1]  }
0x2a: {  	p0 =	seq.s32 s5, $0x0;
	s5 =	sld [smem:$0x3FB2]  }
0x2b: {  	s6 =	sld [smem:$0x3FB3]  }
0x2c: {  	s7 =	sld [smem:$0x3FB4]  }
0x2d: {  	s3 =	simm.s32 $0x108;
	s8 =	sld [smem:$0x3FB5]  }
0x2e: {  	s3 =	simm.s32 @!p0 $0x1082;
	s9 =	sld [smem:$0x3FB6]  }
0x2f: {  	lr =	sadd.s32 s0, s3;
	s0 =	sld [smem:$0x3FAD]  }
0x30: {  	s3 =	sld [smem:$0x3FB0]  }
0x31: {  	[smem:$0x3FB9] =	sst s10  }
0x32: {  	s10 =	sld [smem:$0x3FB7];
	_ =	sdelay $0x3  }
0x33: {  	p0 =	seq.s32 s10, $0x1;
	s10 =	sld [smem:$0x3FB9];
	_ =	sdelay $0x3  }
0x34: {  	[smem:$0x3FB9] =	sst s10  }
0x35: {  	s10 =	sld [smem:$0x3FB8];
	_ =	sdelay $0x3  }
0x36: {  	p1 =	seq.s32 s10, $0x1;
	s10 =	sld [smem:$0x3FB9];
	_ =	sdelay $0x3  }
0x37: {  	[smem:$0x3FB9] =	sst s10  }
0x38: {  	s10 =	sld [smem:$0x3FBA]  }
0x39: {  	_ = 	snop;
	(pc) =	sbr.ind lr, $3  }
0x3a: {  	_ = 	snop  }
0x3b: {  	_ = 	snop  }
0x3c: {  	p2 =	seq.s32 s10, $0x1;
	s10 =	sld [smem:$0x3FB9]  }
0x3d: {  	_ =	shalt  }
0x3e: {  	_ =	shalt  }
0x3f: {  	_ =	shalt  }
0x40: {  	_ =	shalt  }
0x41: {  	_ =	shalt  }
0x42: {  	_ =	shalt  }
0x43: {  	_ =	shalt  }
0x44: {  	_ =	shalt  }
0x45: {  	_ =	shalt  }
0x46: {  	_ =	shalt  }
0x47: {  	_ =	shalt  }
0x48: {  	_ =	shalt  }
0x49: {  	_ =	shalt  }
0x4a: {  	_ =	shalt  }
0x4b: {  	_ =	shalt  }
0x4c: {  	_ =	shalt  }
0x4d: {  	_ =	shalt  }
0x4e: {  	_ =	shalt  }
0x4f: {  	_ =	shalt  }
0x50: {  	_ =	shalt  }
0x51: {  	_ =	shalt  }
0x52: {  	_ =	shalt  }
0x53: {  	_ =	shalt  }
0x54: {  	_ =	shalt  }
0x55: {  	_ =	shalt  }
0x56: {  	_ =	shalt  }
0x57: {  	_ =	shalt  }
0x58: {  	_ =	shalt  }
0x59: {  	_ =	shalt  }
0x5a: {  	_ =	shalt  }
0x5b: {  	_ =	shalt  }
0x5c: {  	_ =	shalt  }
0x5d: {  	_ =	shalt  }
0x5e: {  	_ =	shalt  }
0x5f: {  	_ =	shalt  }
0x60: {  	_ =	shalt  }
0x61: {  	_ =	shalt  }
0x62: {  	_ =	shalt  }
0x63: {  	_ =	shalt  }
0x64: {  	_ =	shalt  }
0x65: {  	_ =	shalt  }
0x66: {  	_ =	shalt  }
0x67: {  	_ =	shalt  }
0x68: {  	_ =	shalt  }
0x69: {  	_ =	shalt  }
0x6a: {  	_ =	shalt  }
0x6b: {  	_ =	shalt  }
0x6c: {  	_ =	shalt  }
0x6d: {  	_ =	shalt  }
0x6e: {  	_ =	shalt  }
0x6f: {  	_ =	shalt  }
0x70: {  	_ =	shalt  }
0x71: {  	_ =	shalt  }
0x72: {  	_ =	shalt  }
0x73: {  	_ =	shalt  }
0x74: {  	_ =	shalt  }
0x75: {  	_ =	shalt  }
0x76: {  	_ =	shalt  }
0x77: {  	_ =	shalt  }
0x78: {  	_ =	shalt  }
0x79: {  	_ =	shalt  }
0x7a: {  	_ =	shalt  }
0x7b: {  	_ =	shalt  }
0x7c: {  	_ =	shalt  }
0x7d: {  	_ =	shalt  }
0x7e: {  	_ =	shalt  }
0x7f: {  	_ =	shalt  }
0x80: {  	_ =	shalt  }
0x81: {  	_ =	shalt  }
0x82: {  	_ =	shalt  }
0x83: {  	_ =	shalt  }
0x84: {  	_ =	shalt  }
0x85: {  	_ =	shalt  }
0x86: {  	_ =	shalt  }
0x87: {  	_ =	shalt  }
.Lfunc_end0:
.L_simem_size_0:
called_computation_lowered:
.L_overlay_start_0:
0x88: {  	s2 =	sld [smem:$0x3FD9]  }
0x89: {  	s3 =	sld [smem:$0x3FFE];
	_ =	sdelay $0x1  }
0x8a: {  	s1 =	srdreg.scid  }
0x8b: {  	s0 =	sand.u32 $0x1, s1  }
0x8c: {  	s17 =	sshll.u32 s0, $0xA;
	s2 =	sadd.s32 s3, s2  }
0x8d: {  	s2 =	sadd.s32 s2, s17  }
0x8e: {  	[smem:$0x3FC5] =	sst s2  }
0x8f: {  	_ = 	snop  }
0x90: {  	s2 =	sld [smem:$0x3FD0];
	(tm) =	ssettm $0x1  }
0x91: {  	s18 =	sld [smem:$0x3FFB];
	_ =	sdelay $0x3  }
0x92: {  	_ =	strace s18  }
0x93: {  	s3 =	sld [smem:$0x3FFC];
	_ =	sdelay $0x3  }
0x94: {  	_ =	strace s3  }
0x95: {  	s3 =	sld [smem:$0x3FFD];
	_ =	sdelay $0x3  }
0x96: {  	_ =	strace s3  }
0x97: {  	_ =	strace $0x8FFFFFFF  }
0x98: {  	s19 =	sld [smem:$0x3FDB];
	_ =	sdelay $0x1  }
0x99: {  	s4 =	simm.s32 $_scs_section_size  }
0x9a: {  	s5 =	simm.s32 $_size__tile_overlayer_lowered;
	s6 =	simm.s32 $_tile_overlayer_lowered  }
0x9b: {  	s22 =	simm.s32 $0x1BFF;
	s21 =	sshll.u32 s6, $0x1;
	s3 =	sadd.s32 s4, s19  }
0x9c: {  	s7 =	simm.s32 $0x0;
	s20 =	sshll.u32 s5, $0x1;
	s5 =	sadd.s32 s21, s3  }
0x9d: {  	[timem:s7], [sflag:s22] =	dma.local [hbm:s5], s20  }
0x9e: {  	_ =	swait.ge [sflag:s22], s20  }
0x9f: {  	s4 =	ssub.s32 $0x0, s20;
	[sflag:s22] =	ssyncset.done $0x0  }
0xa0: {  	[sflag:s22] =	ssyncadd.s32 s4;
	_ =	sdelay $0x1  }
0xa1: {  	s23 =	simm.s32 $0x1B8B  }
0xa2: {  	_ =	swait.ge [sflag:s23], $0x1  }
0xa3: {  	[sflag:s23] =	ssyncset.done $0x0  }
0xa4: {  	s25 =	simm.s32 $0x1B8E;
	s24 =	sld [smem:$0x3FFE];
	[sflag:s23] =	ssyncadd.s32 $0xFFFFFFFF  }
0xa5: {  	s26 =	simm.s32 $execute0_lowered;
	[smem:$0x3FD2] =	sst s25  }
0xa6: {  	s5 =	sshll.u32 s26, $0x1;
	_ =	strace $0x80000046;
	[dreg:$0x1] =	wrdreg $0xFFFFFFFF  }
0xa7: {  	s28 =	simm.s32 $_size_execute0_lowered;
	s3 =	sadd.s32 s3, s5;
	[dreg:$0x0] =	wrdreg $0x0  }
0xa8: {  	s5 =	sshll.u32 s28, $0x1;
	[dreg:$0x2] =	wrdreg s3  }
0xa9: {  	[dreg:$0x3] =	wrdreg s5  }
0xaa: {  	[dreg:$0x4] =	wrdreg $0xC0  }
0xab: {  	_ =	task [dreg:s7], $0x5FFFF  }
0xac: {  	[dreg:$0x1] =	wrdreg $0xFFFFFFFF  }
0xad: {  	[dreg:$0x0] =	wrdreg $0x60  }
0xae: {  	[dreg:$0x2] =	wrdreg s24  }
0xaf: {  	[dreg:$0x3] =	wrdreg s2  }
0xb0: {  	[dreg:$0x4] =	wrdreg $0x9  }
0xb1: {  	_ =	task.clear_ibuf [dreg:s7], $0x5FFFF;
	_ =	strace $0x90000046  }
0xb2: {  	s29 =	simm.s32 $0x9;
	_ =	strace $0x80000048  }
0xb3: {  	_ =	swait.ge [sflag:s29], $0x1  }
0xb4: {  	[sflag:s29] =	ssyncadd.s32 $0xFFFFFFFF  }
0xb5: {  	_ =	strace $0x90000048  }
0xb6: {  	_ =	sfence  }
0xb7: {  	s30 =	sld [smem:$0x0];
	_ =	sdelay $0x2  }
0xb8: {  	s31 =	sshll.u32 s1, $0xD;
	s1 =	sshrl.u32 s1, $0x2  }
0xb9: {  	s3 =	sand.u32 $0x4000, s31;
	s1 =	sadd.s32 s1, s30  }
0xba: {  	s0 =	sor.u32 s3, s0;
	s1 =	sshll.u32 s1, $0x11  }
0xbb: {  	s0 =	sor.u32 s1, s0  }
0xbc: {  	s0 =	sadd.s32 $0x8F2B, s0  }
0xbd: {  	[sflag:s0] =	ssyncadd.remote.s32 $0x1  }
0xbe: {  	_ =	sfence.sel $0xFFFF  }
0xbf: {  	[dreg:$0x0] =	wrdreg $0xFFFFFFFF;
	(pc) =	sbr.abs _section_cstart, $3  }
0xc0: {  	[dreg:$0x1] =	wrdreg $0xFFFFFFFF  }
0xc1: {  	_ =	task.clear_ibuf [dreg:s7], $0x2FFFF;
	_ =	strace $0x9FFFFFFF  }
0xc2: {  	(tm) =	ssettm $0x7FFFFFFF  }
0xc3: {  	_ =	shalt  }
tec
execute0_lowered:
.L_overlay_start_1:
0x0: {  	(tag) =	ssettag $0x1  }
0x1: {  	s3 =	rddreg [dreg:$0x0]  }
0x2: {  	s4 =	rddreg [dreg:$0x1]  }
0x3: {  	s0 =	rddreg [dreg:$0x2]  }
0x4: {  	s1 =	stileid.u32;
	s5 =	srdreg.scid  }
0x5: {  	s2 =	simm.s32 $0x0;
	s11 =	simm.s32 $0x3;
	s5 =	sand.u32 $0x1, s5  }
0x6: {  	s6 =	sshrl.u32 s1, $0x3;
	s7 =	sshll.u32 s1, $0x1;
	[smem:$0x7FF] =	sst s2  }
0x7: {  	s8 =	sshll.u32 s5, $0x9;
	s9 =	sshll.u32 s6, $0xA;
	s7 =	sand.u32 $0xE, s7  }
0x8: {  	_ =	strace $0x80000047;
	s29 =	ssub.s32 $0x2, s5;
	s6 =	sshll.u32 s6, $0xD  }
0x9: {  	s9 =	sor.u32 s8, s9;
	s10 =	sshll.u32 s7, $0x8;
	s5 =	sshrl.u32 s29, $0x1  }
0xa: {  	s4 =	sadd.s32 s4, s8;
	s31 =	sshll.u32 s7, $0x9;
	s7 =	simm.s32 $0x200  }
0xb: {  	s8 =	simm.s32 $0x2;
	s9 =	sshrl.u32 s9, $0x3;
	s10 =	sadd.s32 s10, s3  }
0xc: {  	s30 =	ssub.s32 s29, s5;
	s6 =	sadd.s32 s6, s4;
	s9 =	sadd.s32 s9, s3  }
0xd: {  	s3 =	sadd.s32 $0xE00, s10;
	s5 =	sadd.s32 s31, s6;
	s6 =	smax.u32 s30, $0x1  }
0xe: {  	s10 =	simm.s32 $0x1200;
	s4 =	sadd.s32 $0x1E00, s9;
	s9 =	simm.s32 $0x1  }
.LBB2_1:
0xf: {  	[tilespmem:s7], [sflag:$0x1] =	stream.linear.gather [hbm4b:s3+s2], $0x1000, $0x38;
	[tilespmem:$0x2200] =	vst v63  }
0x10: {  	_ = 	snop  }
0x11: {  	[tilespmem:s2], [sflag:$0x2] =	stream.linear.gather [hbm4b:s4+s2], $0x200, $0x38;
	[tilespmem:$0x2200] =	vst v63  }
0x12: {  	_ =	swait.ge [sflag:s8], $0x200  }
0x13: {  	[sflag:s8] =	ssyncset.done $0x0  }
0x14: {  	[sflag:s8] =	ssyncadd.s32 $0xFFFFFE00  }
0x15: {  	_ =	swait.ge [sflag:s9], $0x1000  }
0x16: {  	[sflag:s9] =	ssyncset.done $0x0  }
0x17: {  	[sflag:s9] =	ssyncadd.s32 $0xFFFFF000  }
0x18: {  	v0 =	vld [tilespmem:$0x0];
	_ =	sdelay $0x4  }
0x19: {  	v1 =	vshll.u32 v0, $0x3  }
0x1a: {  	v2 =	vld [tilespmem:$0x10];
	v0 =	vand.u32 $0x7F, v0;
	v1 =	vand.u32 $0xFFFFFC00, v1  }
0x1b: {  	v0 =	vor.u32 v0, v1;
	_ =	sdelay $0x3  }
0x1c: {  	v36 =	vld [tilespmem:$0x20];
	v35 =	vshll.u32 v2, $0x3  }
0x1d: {  	v2 =	vand.u32 $0x7F, v2;
	v1 =	vand.u32 $0xFFFFFC00, v35;
	v3 =	vld.idx.msk [tilespmem:v0+s7+$0x0], $0xffff  }
0x1e: {  	v1 =	vor.u32 v2, v1;
	_ =	sdelay $0x3  }
0x1f: {  	v4 =	vld [tilespmem:$0x30];
	v37 =	vshll.u32 v36, $0x3;
	[tilespmem:$0x1200] =	vst v3  }
0x20: {  	v2 =	vand.u32 $0x7F, v36;
	v3 =	vand.u32 $0xFFFFFC00, v37;
	v1 =	vld.idx.msk [tilespmem:v1+s7+$0x0], $0xffff  }
0x21: {  	v2 =	vor.u32 v2, v3;
	_ =	sdelay $0x3  }
0x22: {  	v40 =	vld [tilespmem:$0x40];
	v38 =	vshll.u32 v4, $0x3;
	[tilespmem:$0x1210] =	vst v1  }
0x23: {  	v39 =	vand.u32 $0x7F, v4;
	v1 =	vand.u32 $0xFFFFFC00, v38;
	v2 =	vld.idx.msk [tilespmem:v2+s7+$0x0], $0xffff  }
0x24: {  	v1 =	vor.u32 v39, v1;
	_ =	sdelay $0x3  }
0x25: {  	v41 =	vshll.u32 v40, $0x3;
	[tilespmem:$0x1220] =	vst v2  }
0x26: {  	v3 =	vand.u32 $0x7F, v40;
	v2 =	vand.u32 $0xFFFFFC00, v41;
	v1 =	vld.idx.msk [tilespmem:v1+s7+$0x0], $0xffff  }
0x27: {  	v42 =	vld [tilespmem:$0x50];
	v2 =	vor.u32 v3, v2;
	_ =	sdelay $0x3  }
0x28: {  	v45 =	vld [tilespmem:$0x10];
	[tilespmem:$0x1230] =	vst v1  }
0x29: {  	v43 =	vshll.u32 v42, $0x3;
	v2 =	vld.idx.msk [tilespmem:v2+s7+$0x0], $0xffff  }
0x2a: {  	v46 =	vld [tilespmem:$0x60];
	v44 =	vand.u32 $0x7F, v42;
	v5 =	vor.u32 $0x80, v0;
	v1 =	vand.u32 $0xFFFFFC00, v43  }
0x2b: {  	v1 =	vor.u32 v44, v1;
	_ =	sdelay $0x1  }
0x2c: {  	v6 =	vld [tilespmem:$0x20];
	v47 =	vshll.u32 v45, $0x3  }
0x2d: {  	v50 =	vld [tilespmem:$0x70];
	v3 =	vand.u32 $0x7F, v45;
	[tilespmem:$0x1240] =	vst v2;
	v2 =	vand.u32 $0xFFFFFC00, v47  }
0x2e: {  	v7 =	vshll.u32 v46, $0x3;
	v5 =	vld.idx.msk [tilespmem:v5+s7+$0x0], $0xffff;
	v2 =	vor.u32 v2, v3  }
0x2f: {  	v48 =	vand.u32 $0x7F, v46;
	v49 =	vand.u32 $0xFFFFFC00, v7;
	v1 =	vld.idx.msk [tilespmem:v1+s7+$0x0], $0xffff;
	v2 =	vor.u32 $0x80, v2  }
0x30: {  	v3 =	vor.u32 v48, v49;
	_ =	sdelay $0x1  }
0x31: {  	v53 =	vld [tilespmem:$0x30];
	v51 =	vshll.u32 v6, $0x3  }
0x32: {  	v56 =	vld [tilespmem:$0x80];
	v52 =	vand.u32 $0x7F, v6;
	v4 =	vand.u32 $0xFFFFFC00, v51;
	[tilespmem:$0x1280] =	vst v5  }
0x33: {  	v54 =	vshll.u32 v50, $0x3;
	v4 =	vor.u32 v4, v52;
	[tilespmem:$0x1250] =	vst v1;
	v2 =	vld.idx.msk [tilespmem:v2+s7+$0x0], $0xffff  }
0x34: {  	v55 =	vand.u32 $0x7F, v50;
	v4 =	vor.u32 $0x80, v4;
	v1 =	vand.u32 $0xFFFFFC00, v54;
	v3 =	vld.idx.msk [tilespmem:v3+s7+$0x0], $0xffff  }
0x35: {  	v1 =	vor.u32 v55, v1;
	_ =	sdelay $0x1  }
0x36: {  	v60 =	vld [tilespmem:$0x40];
	v57 =	vshll.u32 v53, $0x3  }
0x37: {  	v63 =	vld [tilespmem:$0x90];
	v58 =	vand.u32 $0x7F, v53;
	v59 =	vand.u32 $0xFFFFFC00, v57;
	[tilespmem:$0x1290] =	vst v2  }
0x38: {  	v62 =	vshll.u32 v56, $0x3;
	[tilespmem:$0x1260] =	vst v3;
	v2 =	vor.u32 v59, v58;
	v61 =	vld.idx.msk [tilespmem:v4+s7+$0x0], $0xffff  }
0x39: {  	v5 =	vand.u32 $0x7F, v56;
	v1 =	vld.idx.msk [tilespmem:v1+s7+$0x0], $0xffff;
	v2 =	vor.u32 $0x80, v2;
	v4 =	vand.u32 $0xFFFFFC00, v62  }
0x3a: {  	v4 =	vor.u32 v5, v4;
	_ =	sdelay $0x1  }
0x3b: {  	v10 =	vld [tilespmem:$0x50];
	v8 =	vshll.u32 v60, $0x3  }
0x3c: {  	v13 =	vld [tilespmem:$0xA0];
	v9 =	vand.u32 $0x7F, v60;
	v5 =	vand.u32 $0xFFFFFC00, v8;
	[tilespmem:$0x12A0] =	vst v61  }
0x3d: {  	v11 =	vshll.u32 v63, $0x3;
	v3 =	vor.u32 v5, v9;
	[tilespmem:$0x1270] =	vst v1;
	v2 =	vld.idx.msk [tilespmem:v2+s7+$0x0], $0xffff  }
0x3e: {  	v12 =	vand.u32 $0x7F, v63;
	v3 =	vor.u32 $0x80, v3;
	v1 =	vand.u32 $0xFFFFFC00, v11;
	v4 =	vld.idx.msk [tilespmem:v4+s7+$0x0], $0xffff  }
0x3f: {  	v1 =	vor.u32 v12, v1;
	_ =	sdelay $0x1  }
0x40: {  	v16 =	vld [tilespmem:$0x60];
	v14 =	vshll.u32 v10, $0x3  }
0x41: {  	v18 =	vld [tilespmem:$0xB0];
	v15 =	vand.u32 $0x7F, v10;
	v6 =	vand.u32 $0xFFFFFC00, v14;
	[tilespmem:$0x12B0] =	vst v2  }
0x42: {  	v17 =	vshll.u32 v13, $0x3;
	v2 =	vor.u32 v6, v15;
	[tilespmem:$0x1600] =	vst v4;
	v3 =	vld.idx.msk [tilespmem:v3+s7+$0x0], $0xffff  }
0x43: {  	v5 =	vand.u32 $0x7F, v13;
	v4 =	vand.u32 $0xFFFFFC00, v17;
	v2 =	vor.u32 $0x80, v2;
	v1 =	vld.idx.msk [tilespmem:v1+s7+$0x0], $0xffff  }
0x44: {  	v4 =	vor.u32 v5, v4;
	_ =	sdelay $0x1  }
0x45: {  	v21 =	vld [tilespmem:$0x70];
	v19 =	vshll.u32 v16, $0x3  }
0x46: {  	v24 =	vld [tilespmem:$0xC0];
	v20 =	vand.u32 $0x7F, v16;
	v5 =	vand.u32 $0xFFFFFC00, v19;
	[tilespmem:$0x12C0] =	vst v3  }
0x47: {  	v22 =	vshll.u32 v18, $0x3;
	v3 =	vor.u32 v5, v20;
	[tilespmem:$0x1610] =	vst v1;
	v2 =	vld.idx.msk [tilespmem:v2+s7+$0x0], $0xffff  }
0x48: {  	v23 =	vand.u32 $0x7F, v18;
	v1 =	vand.u32 $0xFFFFFC00, v22;
	v3 =	vor.u32 $0x80, v3;
	v4 =	vld.idx.msk [tilespmem:v4+s7+$0x0], $0xffff  }
0x49: {  	v1 =	vor.u32 v23, v1;
	_ =	sdelay $0x1  }
0x4a: {  	v28 =	vld [tilespmem:$0x10];
	v25 =	vshll.u32 v21, $0x3  }
0x4b: {  	v27 =	vld [tilespmem:$0x80];
	v26 =	vand.u32 $0x7F, v21;
	v6 =	vand.u32 $0xFFFFFC00, v25;
	[tilespmem:$0x12D0] =	vst v2  }
0x4c: {  	v10 =	vor.u32 $0x100, v0;
	v5 =	vshll.u32 v24, $0x3;
	v2 =	vor.u32 v6, v26;
	[tilespmem:$0x1620] =	vst v4;
	v3 =	vld.idx.msk [tilespmem:v3+s7+$0x0], $0xffff  }
0x4d: {  	v29 =	vand.u32 $0x7F, v24;
	v5 =	vand.u32 $0xFFFFFC00, v5;
	v2 =	vor.u32 $0x80, v2;
	v1 =	vld.idx.msk [tilespmem:v1+s7+$0x0], $0xffff  }
0x4e: {  	v32 =	vld [tilespmem:$0x90];
	v5 =	vor.u32 v29, v5  }
0x4f: {  	v34 =	vld [tilespmem:$0x20];
	v33 =	vshll.u32 v28, $0x3  }
0x50: {  	v8 =	vld [tilespmem:$0xD0];
	v9 =	vshll.u32 v27, $0x3;
	v4 =	vand.u32 $0x7F, v28;
	v6 =	vand.u32 $0xFFFFFC00, v33  }
0x51: {  	v30 =	vand.u32 $0x7F, v27;
	v10 =	vld.idx.msk [tilespmem:v10+s7+$0x0], $0xffff;
	v31 =	vand.u32 $0xFFFFFC00, v9;
	v4 =	vor.u32 v6, v4;
	[tilespmem:$0x12E0] =	vst v3  }
0x52: {  	v4 =	vor.u32 $0x100, v4;
	v3 =	vor.u32 v31, v30;
	[tilespmem:$0x1630] =	vst v1;
	v2 =	vld.idx.msk [tilespmem:v2+s7+$0x0], $0xffff  }
0x53: {  	v3 =	vor.u32 $0x80, v3;
	v5 =	vld.idx.msk [tilespmem:v5+s7+$0x0], $0xffff  }
0x54: {  	v42 =	vshll.u32 v34, $0x3;
	v37 =	vshll.u32 v32, $0x3;
	v40 =	vld [tilespmem:$0xA0]  }
0x55: {  	v38 =	vand.u32 $0x7F, v32;
	v41 =	vld [tilespmem:$0xE0];
	v35 =	vand.u32 $0x7F, v8;
	v8 =	vshll.u32 v8, $0x3  }
0x56: {  	[tilespmem:$0x1300] =	vst v10;
	v43 =	vld [tilespmem:$0x30];
	v9 =	vand.u32 $0x7F, v34;
	v36 =	vand.u32 $0xFFFFFC00, v8;
	v8 =	vand.u32 $0xFFFFFC00, v42  }
0x57: {  	v39 =	vand.u32 $0xFFFFFC00, v37;
	v44 =	vor.u32 v8, v9;
	v1 =	vor.u32 v35, v36;
	v4 =	vld.idx.msk [tilespmem:v4+s7+$0x0], $0xffff;
	[tilespmem:$0x12F0] =	vst v2  }
0x58: {  	v2 =	vor.u32 v39, v38;
	[tilespmem:$0x1640] =	vst v5;
	v5 =	vor.u32 $0x100, v44;
	v3 =	vld.idx.msk [tilespmem:v3+s7+$0x0], $0xffff  }
0x59: {  	v2 =	vor.u32 $0x80, v2  }
0x5a: {  	v53 =	vld [tilespmem:$0x40];
	v46 =	vand.u32 $0x7F, v40;
	v45 =	vshll.u32 v40, $0x3  }
0x5b: {  	v51 =	vand.u32 $0x7F, v43;
	v48 =	vld [tilespmem:$0xB0];
	v11 =	vshll.u32 v43, $0x3;
	v6 =	vshll.u32 v41, $0x3  }
0x5c: {  	v49 =	vand.u32 $0x7F, v41;
	v52 =	vand.u32 $0xFFFFFC00, v11;
	v6 =	vand.u32 $0xFFFFFC00, v6;
	[tilespmem:$0x1310] =	vst v4;
	v1 =	vld.idx.msk [tilespmem:v1+s7+$0x0], $0xffff  }
0x5d: {  	v47 =	vand.u32 $0xFFFFFC00, v45;
	v6 =	vor.u32 v49, v6;
	v4 =	vor.u32 v52, v51;
	v5 =	vld.idx.msk [tilespmem:v5+s7+$0x0], $0xffff;
	[tilespmem:$0x1680] =	vst v3  }
0x5e: {  	v4 =	vor.u32 $0x100, v4;
	v3 =	vor.u32 v47, v46;
	v2 =	vld.idx.msk [tilespmem:v2+s7+$0x0], $0xffff  }
0x5f: {  	v50 =	vld [tilespmem:$0xF0];
	v3 =	vor.u32 $0x80, v3  }
0x60: {  	v57 =	vld [tilespmem:$0xC0]  }
0x61: {  	v59 =	vshll.u32 v53, $0x3;
	v62 =	vld [tilespmem:$0x50];
	[tilespmem:$0x1650] =	vst v1  }
0x62: {  	v60 =	vand.u32 $0x7F, v53;
	v54 =	vshll.u32 v48, $0x3;
	v61 =	vand.u32 $0xFFFFFC00, v59;
	v6 =	vld.idx.msk [tilespmem:v6+s7+$0x0], $0xffff;
	[tilespmem:$0x1320] =	vst v5  }
0x63: {  	v55 =	vand.u32 $0x7F, v48;
	v56 =	vand.u32 $0xFFFFFC00, v54;
	v5 =	vor.u32 v61, v60;
	v4 =	vld.idx.msk [tilespmem:v4+s7+$0x0], $0xffff;
	[tilespmem:$0x1690] =	vst v2  }
0x64: {  	v5 =	vor.u32 $0x100, v5;
	v2 =	vor.u32 v56, v55;
	v3 =	vld.idx.msk [tilespmem:v3+s7+$0x0], $0xffff  }
0x65: {  	v7 =	vshll.u32 v50, $0x3;
	v2 =	vor.u32 $0x80, v2  }
0x66: {  	v63 =	vld [tilespmem:$0x100];
	v7 =	vand.u32 $0xFFFFFC00, v7  }
0x67: {  	v18 =	vld [tilespmem:$0x60];
	v58 =	vand.u32 $0x7F, v50;
	v13 =	vand.u32 $0x7F, v57;
	v16 =	vshll.u32 v62, $0x3;
	[tilespmem:$0x1660] =	vst v6  }
0x68: {  	v12 =	vshll.u32 v57, $0x3;
	v15 =	vld [tilespmem:$0xD0];
	v17 =	vand.u32 $0x7F, v62;
	v6 =	vand.u32 $0xFFFFFC00, v16;
	[tilespmem:$0x1330] =	vst v4  }
0x69: {  	v14 =	vand.u32 $0xFFFFFC00, v12;
	v1 =	vor.u32 v58, v7;
	v4 =	vor.u32 v6, v17;
	v5 =	vld.idx.msk [tilespmem:v5+s7+$0x0], $0xffff;
	[tilespmem:$0x16A0] =	vst v3  }
0x6a: {  	v4 =	vor.u32 $0x100, v4;
	v3 =	vor.u32 v14, v13;
	v2 =	vld.idx.msk [tilespmem:v2+s7+$0x0], $0xffff  }
0x6b: {  	v21 =	vld [tilespmem:$0x110];
	v3 =	vor.u32 $0x80, v3  }
0x6c: {  	v27 =	vand.u32 $0x7F, v18;
	v25 =	vld [tilespmem:$0xE0];
	v19 =	vand.u32 $0x7F, v63  }
0x6d: {  	v22 =	vshll.u32 v15, $0x3;
	v29 =	vld [tilespmem:$0x70];
	v26 =	vshll.u32 v18, $0x3;
	v7 =	vshll.u32 v63, $0x3  }
0x6e: {  	v23 =	vand.u32 $0x7F, v15;
	v28 =	vand.u32 $0xFFFFFC00, v26;
	v20 =	vand.u32 $0xFFFFFC00, v7;
	v1 =	vld.idx.msk [tilespmem:v1+s7+$0x0], $0xffff;
	[tilespmem:$0x1340] =	vst v5  }
0x6f: {  	v24 =	vand.u32 $0xFFFFFC00, v22;
	v6 =	vor.u32 v19, v20;
	v5 =	vor.u32 v28, v27;
	v4 =	vld.idx.msk [tilespmem:v4+s7+$0x0], $0xffff;
	[tilespmem:$0x16B0] =	vst v2  }
0x70: {  	v5 =	vor.u32 $0x100, v5;
	v2 =	vor.u32 v24, v23;
	v3 =	vld.idx.msk [tilespmem:v3+s7+$0x0], $0xffff  }
0x71: {  	v34 =	vld [tilespmem:$0xF0];
	v2 =	vor.u32 $0x80, v2  }
0x72: {  	v32 =	vand.u32 $0x7F, v25;
	v37 =	vand.u32 $0x7F, v29;
	v35 =	vld [tilespmem:$0x120]  }
0x73: {  	v30 =	vand.u32 $0x7F, v21;
	v36 =	vshll.u32 v29, $0x3;
	v39 =	vld [tilespmem:$0x80];
	v7 =	vshll.u32 v21, $0x3;
	[tilespmem:$0x1670] =	vst v1  }
0x74: {  	v31 =	vshll.u32 v25, $0x3;
	v38 =	vand.u32 $0xFFFFFC00, v36;
	v7 =	vand.u32 $0xFFFFFC00, v7;
	v6 =	vld.idx.msk [tilespmem:v6+s7+$0x0], $0xffff;
	[tilespmem:$0x1350] =	vst v4  }
0x75: {  	v33 =	vand.u32 $0xFFFFFC00, v31;
	v1 =	vor.u32 v30, v7;
	v4 =	vor.u32 v38, v37;
	v5 =	vld.idx.msk [tilespmem:v5+s7+$0x0], $0xffff;
	[tilespmem:$0x16C0] =	vst v3  }
0x76: {  	v4 =	vor.u32 $0x100, v4;
	v3 =	vor.u32 v33, v32;
	v2 =	vld.idx.msk [tilespmem:v2+s7+$0x0], $0xffff  }
0x77: {  	v40 =	vshll.u32 v34, $0x3;
	v3 =	vor.u32 $0x80, v3  }
0x78: {  	v42 =	vld [tilespmem:$0x100];
	v41 =	vand.u32 $0x7F, v34;
	v43 =	vand.u32 $0x7F, v35;
	v46 =	vshll.u32 v39, $0x3  }
0x79: {  	v49 =	vld [tilespmem:$0x90];
	v47 =	vand.u32 $0x7F, v39;
	v48 =	vand.u32 $0xFFFFFC00, v46;
	v7 =	vshll.u32 v35, $0x3;
	[tilespmem:$0x1A00] =	vst v6  }
0x7a: {  	v44 =	vand.u32 $0xFFFFFC00, v7;
	v6 =	vand.u32 $0xFFFFFC00, v40;
	v1 =	vld.idx.msk [tilespmem:v1+s7+$0x0], $0xffff;
	[tilespmem:$0x1360] =	vst v5;
	v5 =	vor.u32 v48, v47  }
0x7b: {  	v4 =	vld.idx.msk [tilespmem:v4+s7+$0x0], $0xffff;
	[tilespmem:$0x16D0] =	vst v2;
	v2 =	vor.u32 v6, v41;
	v6 =	vor.u32 v43, v44  }
0x7c: {  	v5 =	vor.u32 $0x100, v5;
	v3 =	vld.idx.msk [tilespmem:v3+s7+$0x0], $0xffff  }
0x7d: {  	v45 =	vld [tilespmem:$0x130];
	v2 =	vor.u32 $0x80, v2  }
0x7e: {  	v53 =	vld [tilespmem:$0x110]  }
0x7f: {  	v58 =	vld [tilespmem:$0xA0];
	v55 =	vshll.u32 v49, $0x3;
	[tilespmem:$0x1A10] =	vst v1  }
0x80: {  	v50 =	vshll.u32 v42, $0x3;
	v56 =	vand.u32 $0x7F, v49;
	v57 =	vand.u32 $0xFFFFFC00, v55;
	[tilespmem:$0x1370] =	vst v4;
	v6 =	vld.idx.msk [tilespmem:v6+s7+$0x0], $0xffff  }
0x81: {  	v51 =	vand.u32 $0x7F, v42;
	v52 =	vand.u32 $0xFFFFFC00, v50;
	v4 =	vor.u32 v57, v56;
	v5 =	vld.idx.msk [tilespmem:v5+s7+$0x0], $0xffff;
	[tilespmem:$0x16E0] =	vst v3  }
0x82: {  	v4 =	vor.u32 $0x100, v4;
	v3 =	vor.u32 v52, v51;
	v2 =	vld.idx.msk [tilespmem:v2+s7+$0x0], $0xffff  }
0x83: {  	v3 =	vor.u32 $0x80, v3  }
0x84: {  	v54 =	vand.u32 $0x7F, v45;
	v59 =	vld [tilespmem:$0x140];
	v60 =	vshll.u32 v53, $0x3  }
0x85: {  	v63 =	vld [tilespmem:$0x120];
	v61 =	vand.u32 $0x7F, v53;
	v12 =	vshll.u32 v58, $0x3;
	v7 =	vshll.u32 v45, $0x3;
	[tilespmem:$0x1A20] =	vst v6  }
0x86: {  	v13 =	vand.u32 $0x7F, v58;
	v14 =	vld [tilespmem:$0xB0];
	v7 =	vand.u32 $0xFFFFFC00, v7;
	[tilespmem:$0x1700] =	vst v5;
	v6 =	vand.u32 $0xFFFFFC00, v12  }
0x87: {  	v62 =	vand.u32 $0xFFFFFC00, v60;
	v1 =	vor.u32 v54, v7;
	v4 =	vld.idx.msk [tilespmem:v4+s7+$0x0], $0xffff;
	v5 =	vor.u32 v6, v13;
	[tilespmem:$0x16F0] =	vst v2  }
0x88: {  	v2 =	vor.u32 v62, v61;
	v5 =	vor.u32 $0x100, v5;
	v3 =	vld.idx.msk [tilespmem:v3+s7+$0x0], $0xffff  }
0x89: {  	v25 =	vld [tilespmem:$0xC0];
	v2 =	vor.u32 $0x80, v2  }
0x8a: {  	v15 =	vand.u32 $0x7F, v59;
	v21 =	vld [tilespmem:$0x130];
	v18 =	vshll.u32 v63, $0x3  }
0x8b: {  	v17 =	vld [tilespmem:$0x150];
	v19 =	vand.u32 $0x7F, v63;
	v22 =	vshll.u32 v14, $0x3;
	v7 =	vshll.u32 v59, $0x3  }
0x8c: {  	v23 =	vand.u32 $0x7F, v14;
	v24 =	vand.u32 $0xFFFFFC00, v22;
	v16 =	vand.u32 $0xFFFFFC00, v7;
	v1 =	vld.idx.msk [tilespmem:v1+s7+$0x0], $0xffff;
	[tilespmem:$0x1710] =	vst v4  }
0x8d: {  	v20 =	vand.u32 $0xFFFFFC00, v18;
	v6 =	vor.u32 v15, v16;
	v4 =	vor.u32 v24, v23;
	v5 =	vld.idx.msk [tilespmem:v5+s7+$0x0], $0xffff;
	[tilespmem:$0x1A80] =	vst v3  }
0x8e: {  	v4 =	vor.u32 $0x100, v4;
	v3 =	vor.u32 v20, v19;
	v2 =	vld.idx.msk [tilespmem:v2+s7+$0x0], $0xffff  }
0x8f: {  	v31 =	vld [tilespmem:$0x160];
	v3 =	vor.u32 $0x80, v3  }
0x90: {  	v30 =	vld [tilespmem:$0x140];
	v26 =	vand.u32 $0x7F, v17;
	v27 =	vshll.u32 v21, $0x3  }
0x91: {  	v35 =	vld [tilespmem:$0xD0];
	v28 =	vand.u32 $0x7F, v21;
	v32 =	vshll.u32 v25, $0x3;
	v7 =	vshll.u32 v17, $0x3;
	[tilespmem:$0x1A30] =	vst v1  }
0x92: {  	v33 =	vand.u32 $0x7F, v25;
	v34 =	vand.u32 $0xFFFFFC00, v32;
	v7 =	vand.u32 $0xFFFFFC00, v7;
	v6 =	vld.idx.msk [tilespmem:v6+s7+$0x0], $0xffff;
	[tilespmem:$0x1720] =	vst v5  }
0x93: {  	v29 =	vand.u32 $0xFFFFFC00, v27;
	v1 =	vor.u32 v26, v7;
	v5 =	vor.u32 v34, v33;
	v4 =	vld.idx.msk [tilespmem:v4+s7+$0x0], $0xffff;
	[tilespmem:$0x1A90] =	vst v2  }
0x94: {  	v5 =	vor.u32 $0x100, v5;
	v2 =	vor.u32 v29, v28;
	v3 =	vld.idx.msk [tilespmem:v3+s7+$0x0], $0xffff  }
0x95: {  	v39 =	vand.u32 $0x7F, v31;
	v2 =	vor.u32 $0x80, v2  }
0x96: {  	v45 =	vld [tilespmem:$0xE0];
	v36 =	vshll.u32 v30, $0x3;
	v42 =	vshll.u32 v35, $0x3;
	v37 =	vand.u32 $0x7F, v30  }
0x97: {  	v38 =	vld [tilespmem:$0x150];
	v43 =	vand.u32 $0x7F, v35;
	v44 =	vand.u32 $0xFFFFFC00, v42;
	v7 =	vshll.u32 v31, $0x3;
	[tilespmem:$0x1A40] =	vst v6  }
0x98: {  	v40 =	vand.u32 $0xFFFFFC00, v7;
	v6 =	vand.u32 $0xFFFFFC00, v36;
	v1 =	vld.idx.msk [tilespmem:v1+s7+$0x0], $0xffff;
	[tilespmem:$0x1730] =	vst v4;
	v4 =	vor.u32 v44, v43  }
0x99: {  	v5 =	vld.idx.msk [tilespmem:v5+s7+$0x0], $0xffff;
	[tilespmem:$0x1AA0] =	vst v3;
	v3 =	vor.u32 v6, v37;
	v6 =	vor.u32 v39, v40  }
0x9a: {  	v4 =	vor.u32 $0x100, v4;
	v2 =	vld.idx.msk [tilespmem:v2+s7+$0x0], $0xffff  }
0x9b: {  	v49 =	vld [tilespmem:$0x160];
	v3 =	vor.u32 $0x80, v3  }
0x9c: {  	v54 =	vld [tilespmem:$0xF0]  }
0x9d: {  	v41 =	vld [tilespmem:$0x170];
	v51 =	vshll.u32 v45, $0x3;
	[tilespmem:$0x1A50] =	vst v1  }
0x9e: {  	v46 =	vshll.u32 v38, $0x3;
	v52 =	vand.u32 $0x7F, v45;
	v53 =	vand.u32 $0xFFFFFC00, v51;
	[tilespmem:$0x1740] =	vst v5;
	v6 =	vld.idx.msk [tilespmem:v6+s7+$0x0], $0xffff  }
0x9f: {  	v47 =	vand.u32 $0x7F, v38;
	v48 =	vand.u32 $0xFFFFFC00, v46;
	v5 =	vor.u32 v53, v52;
	v4 =	vld.idx.msk [tilespmem:v4+s7+$0x0], $0xffff;
	[tilespmem:$0x1AB0] =	vst v2  }
0xa0: {  	v5 =	vor.u32 $0x100, v5;
	v2 =	vor.u32 v48, v47;
	v3 =	vld.idx.msk [tilespmem:v3+s7+$0x0], $0xffff  }
0xa1: {  	v2 =	vor.u32 $0x80, v2  }
0xa2: {  	v55 =	vld [tilespmem:$0x180];
	v60 =	vshll.u32 v54, $0x3;
	v56 =	vshll.u32 v49, $0x3  }
0xa3: {  	v59 =	vld [tilespmem:$0x170];
	v57 =	vand.u32 $0x7F, v49;
	v50 =	vand.u32 $0x7F, v41;
	v7 =	vshll.u32 v41, $0x3;
	[tilespmem:$0x1A60] =	vst v6  }
0xa4: {  	v61 =	vand.u32 $0x7F, v54;
	v62 =	vld [tilespmem:$0x100];
	v7 =	vand.u32 $0xFFFFFC00, v7;
	[tilespmem:$0x1750] =	vst v4;
	v6 =	vand.u32 $0xFFFFFC00, v60  }
0xa5: {  	v58 =	vand.u32 $0xFFFFFC00, v56;
	v1 =	vor.u32 v50, v7;
	v5 =	vld.idx.msk [tilespmem:v5+s7+$0x0], $0xffff;
	v4 =	vor.u32 v6, v61;
	[tilespmem:$0x1AC0] =	vst v3  }
0xa6: {  	v3 =	vor.u32 v58, v57;
	v4 =	vor.u32 $0x100, v4;
	v2 =	vld.idx.msk [tilespmem:v2+s7+$0x0], $0xffff  }
0xa7: {  	v21 =	vld [tilespmem:$0x110];
	v3 =	vor.u32 $0x80, v3  }
0xa8: {  	v63 =	vand.u32 $0x7F, v55;
	v17 =	vld [tilespmem:$0x180];
	v14 =	vshll.u32 v59, $0x3  }
0xa9: {  	v13 =	vld [tilespmem:$0x190];
	v15 =	vand.u32 $0x7F, v59;
	v18 =	vshll.u32 v62, $0x3;
	v7 =	vshll.u32 v55, $0x3  }
0xaa: {  	v19 =	vand.u32 $0x7F, v62;
	v20 =	vand.u32 $0xFFFFFC00, v18;
	v12 =	vand.u32 $0xFFFFFC00, v7;
	v1 =	vld.idx.msk [tilespmem:v1+s7+$0x0], $0xffff;
	[tilespmem:$0x1760] =	vst v5  }
0xab: {  	v16 =	vand.u32 $0xFFFFFC00, v14;
	v6 =	vor.u32 v63, v12;
	v5 =	vor.u32 v20, v19;
	v4 =	vld.idx.msk [tilespmem:v4+s7+$0x0], $0xffff;
	[tilespmem:$0x1AD0] =	vst v2  }
0xac: {  	v5 =	vor.u32 $0x100, v5;
	v2 =	vor.u32 v16, v15;
	v3 =	vld.idx.msk [tilespmem:v3+s7+$0x0], $0xffff  }
0xad: {  	v27 =	vld [tilespmem:$0x1A0];
	v2 =	vor.u32 $0x80, v2  }
0xae: {  	v22 =	vand.u32 $0x7F, v13;
	v23 =	vshll.u32 v17, $0x3;
	v26 =	vld [tilespmem:$0x190]  }
0xaf: {  	v24 =	vand.u32 $0x7F, v17;
	v31 =	vld [tilespmem:$0x120];
	v28 =	vshll.u32 v21, $0x3;
	v7 =	vshll.u32 v13, $0x3;
	[tilespmem:$0x1A70] =	vst v1  }
0xb0: {  	v29 =	vand.u32 $0x7F, v21;
	v30 =	vand.u32 $0xFFFFFC00, v28;
	v7 =	vand.u32 $0xFFFFFC00, v7;
	v6 =	vld.idx.msk [tilespmem:v6+s7+$0x0], $0xffff;
	[tilespmem:$0x1770] =	vst v4  }
0xb1: {  	v25 =	vand.u32 $0xFFFFFC00, v23;
	v1 =	vor.u32 v22, v7;
	v4 =	vor.u32 v30, v29;
	v5 =	vld.idx.msk [tilespmem:v5+s7+$0x0], $0xffff;
	[tilespmem:$0x1AE0] =	vst v3  }
0xb2: {  	v4 =	vor.u32 $0x100, v4;
	v3 =	vor.u32 v25, v24;
	v2 =	vld.idx.msk [tilespmem:v2+s7+$0x0], $0xffff  }
0xb3: {  	v35 =	vand.u32 $0x7F, v27;
	v3 =	vor.u32 $0x80, v3  }
0xb4: {  	v41 =	vld [tilespmem:$0x130];
	v32 =	vshll.u32 v26, $0x3;
	v38 =	vshll.u32 v31, $0x3;
	v33 =	vand.u32 $0x7F, v26  }
0xb5: {  	v34 =	vld [tilespmem:$0x1A0];
	v39 =	vand.u32 $0x7F, v31;
	v40 =	vand.u32 $0xFFFFFC00, v38;
	v7 =	vshll.u32 v27, $0x3;
	[tilespmem:$0x1E00] =	vst v6  }
0xb6: {  	v36 =	vand.u32 $0xFFFFFC00, v7;
	v6 =	vand.u32 $0xFFFFFC00, v32;
	v1 =	vld.idx.msk [tilespmem:v1+s7+$0x0], $0xffff;
	[tilespmem:$0x1B00] =	vst v5;
	v5 =	vor.u32 v40, v39  }
0xb7: {  	v4 =	vld.idx.msk [tilespmem:v4+s7+$0x0], $0xffff;
	[tilespmem:$0x1AF0] =	vst v2;
	v2 =	vor.u32 v6, v33;
	v6 =	vor.u32 v35, v36  }
0xb8: {  	v5 =	vor.u32 $0x100, v5;
	v3 =	vld.idx.msk [tilespmem:v3+s7+$0x0], $0xffff  }
0xb9: {  	v45 =	vld [tilespmem:$0x1B0];
	v2 =	vor.u32 $0x80, v2  }
0xba: {  	v50 =	vld [tilespmem:$0x140]  }
0xbb: {  	v37 =	vld [tilespmem:$0x1B0];
	v47 =	vshll.u32 v41, $0x3;
	[tilespmem:$0x1E10] =	vst v1  }
0xbc: {  	v42 =	vshll.u32 v34, $0x3;
	v48 =	vand.u32 $0x7F, v41;
	v49 =	vand.u32 $0xFFFFFC00, v47;
	[tilespmem:$0x1B10] =	vst v4;
	v6 =	vld.idx.msk [tilespmem:v6+s7+$0x0], $0xffff  }
0xbd: {  	v43 =	vand.u32 $0x7F, v34;
	v44 =	vand.u32 $0xFFFFFC00, v42;
	v4 =	vor.u32 v49, v48;
	v5 =	vld.idx.msk [tilespmem:v5+s7+$0x0], $0xffff;
	[tilespmem:$0x1E80] =	vst v3  }
0xbe: {  	v4 =	vor.u32 $0x100, v4;
	v3 =	vor.u32 v44, v43;
	v2 =	vld.idx.msk [tilespmem:v2+s7+$0x0], $0xffff  }
0xbf: {  	v3 =	vor.u32 $0x80, v3  }
0xc0: {  	v51 =	vld [tilespmem:$0x1C0];
	v56 =	vshll.u32 v50, $0x3;
	v52 =	vshll.u32 v45, $0x3  }
0xc1: {  	v55 =	vld [tilespmem:$0x1C0];
	v53 =	vand.u32 $0x7F, v45;
	v46 =	vand.u32 $0x7F, v37;
	v7 =	vshll.u32 v37, $0x3;
	[tilespmem:$0x1E20] =	vst v6  }
0xc2: {  	v57 =	vand.u32 $0x7F, v50;
	v58 =	vld [tilespmem:$0x150];
	v7 =	vand.u32 $0xFFFFFC00, v7;
	[tilespmem:$0x1B20] =	vst v5;
	v6 =	vand.u32 $0xFFFFFC00, v56  }
0xc3: {  	v54 =	vand.u32 $0xFFFFFC00, v52;
	v1 =	vor.u32 v46, v7;
	v4 =	vld.idx.msk [tilespmem:v4+s7+$0x0], $0xffff;
	v5 =	vor.u32 v6, v57;
	[tilespmem:$0x1E90] =	vst v2  }
0xc4: {  	v2 =	vor.u32 v54, v53;
	v5 =	vor.u32 $0x100, v5;
	v3 =	vld.idx.msk [tilespmem:v3+s7+$0x0], $0xffff  }
0xc5: {  	v17 =	vld [tilespmem:$0x160];
	v2 =	vor.u32 $0x80, v2  }
0xc6: {  	v59 =	vand.u32 $0x7F, v51;
	v13 =	vld [tilespmem:$0x1D0];
	v62 =	vshll.u32 v55, $0x3  }
0xc7: {  	v61 =	vld [tilespmem:$0x1D0];
	v63 =	vand.u32 $0x7F, v55;
	v14 =	vshll.u32 v58, $0x3;
	v7 =	vshll.u32 v51, $0x3  }
0xc8: {  	v15 =	vand.u32 $0x7F, v58;
	v16 =	vand.u32 $0xFFFFFC00, v14;
	v60 =	vand.u32 $0xFFFFFC00, v7;
	v1 =	vld.idx.msk [tilespmem:v1+s7+$0x0], $0xffff;
	[tilespmem:$0x1B30] =	vst v4  }
0xc9: {  	v12 =	vand.u32 $0xFFFFFC00, v62;
	v6 =	vor.u32 v59, v60;
	v4 =	vor.u32 v16, v15;
	v5 =	vld.idx.msk [tilespmem:v5+s7+$0x0], $0xffff;
	[tilespmem:$0x1EA0] =	vst v3  }
0xca: {  	v4 =	vor.u32 $0x100, v4;
	v3 =	vor.u32 v12, v63;
	v2 =	vld.idx.msk [tilespmem:v2+s7+$0x0], $0xffff  }
0xcb: {  	v26 =	vld [tilespmem:$0x170];
	v3 =	vor.u32 $0x80, v3  }
0xcc: {  	v23 =	vshll.u32 v17, $0x3;
	v21 =	vand.u32 $0x7F, v13;
	v20 =	vld [tilespmem:$0x1E0]  }
0xcd: {  	v18 =	vand.u32 $0x7F, v61;
	v19 =	vshll.u32 v13, $0x3;
	v22 =	vld [tilespmem:$0x1E0];
	v7 =	vshll.u32 v61, $0x3;
	[tilespmem:$0x1E30] =	vst v1  }
0xce: {  	v24 =	vand.u32 $0x7F, v17;
	v25 =	vand.u32 $0xFFFFFC00, v23;
	v7 =	vand.u32 $0xFFFFFC00, v7;
	v6 =	vld.idx.msk [tilespmem:v6+s7+$0x0], $0xffff;
	[tilespmem:$0x1B40] =	vst v5  }
0xcf: {  	v8 =	vand.u32 $0xFFFFFC00, v19;
	v1 =	vor.u32 v18, v7;
	v5 =	vor.u32 v25, v24;
	v4 =	vld.idx.msk [tilespmem:v4+s7+$0x0], $0xffff;
	[tilespmem:$0x1EB0] =	vst v2  }
0xd0: {  	v5 =	vor.u32 $0x100, v5;
	v2 =	vor.u32 v8, v21;
	v3 =	vld.idx.msk [tilespmem:v3+s7+$0x0], $0xffff  }
0xd1: {  	v28 =	vld [tilespmem:$0x1F0];
	v2 =	vor.u32 $0x80, v2  }
0xd2: {  	v34 =	vand.u32 $0x7F, v26;
	v27 =	vshll.u32 v20, $0x3;
	v32 =	vld [tilespmem:$0x1F0]  }
0xd3: {  	v31 =	vand.u32 $0x7F, v22;
	v30 =	vshll.u32 v22, $0x3;
	v33 =	vshll.u32 v26, $0x3;
	v36 =	vld [tilespmem:$0x180];
	[tilespmem:$0x1E40] =	vst v6  }
0xd4: {  	v35 =	vand.u32 $0xFFFFFC00, v33;
	v7 =	vand.u32 $0x7F, v20;
	v6 =	vand.u32 $0xFFFFFC00, v27;
	v1 =	vld.idx.msk [tilespmem:v1+s7+$0x0], $0xffff;
	[tilespmem:$0x1B50] =	vst v4  }
0xd5: {  	v29 =	vor.u32 v7, v6;
	v6 =	vand.u32 $0xFFFFFC00, v30;
	v4 =	vor.u32 v35, v34;
	v5 =	vld.idx.msk [tilespmem:v5+s7+$0x0], $0xffff;
	[tilespmem:$0x1EC0] =	vst v3  }
0xd6: {  	v6 =	vor.u32 v6, v31;
	v4 =	vor.u32 $0x100, v4;
	v2 =	vld.idx.msk [tilespmem:v2+s7+$0x0], $0xffff  }
0xd7: {  	v6 =	vor.u32 $0x80, v6  }
0xd8: {  	v9 =	vand.u32 $0x7F, v28;
	v37 =	vshll.u32 v28, $0x3  }
0xd9: {  	v39 =	vshll.u32 v32, $0x3;
	v40 =	vand.u32 $0x7F, v32;
	v41 =	vshll.u32 v36, $0x3;
	[tilespmem:$0x1E50] =	vst v1  }
0xda: {  	v42 =	vand.u32 $0x7F, v36;
	v43 =	vand.u32 $0xFFFFFC00, v41;
	v7 =	vand.u32 $0xFFFFFC00, v37;
	v3 =	vld.idx.msk [tilespmem:v29+s7+$0x0], $0xffff;
	[tilespmem:$0x1B60] =	vst v5  }
0xdb: {  	v38 =	vor.u32 v9, v7;
	v7 =	vand.u32 $0xFFFFFC00, v39;
	v5 =	vor.u32 v43, v42;
	v4 =	vld.idx.msk [tilespmem:v4+s7+$0x0], $0xffff;
	[tilespmem:$0x1ED0] =	vst v2  }
0xdc: {  	v5 =	vor.u32 $0x100, v5;
	v2 =	vor.u32 v7, v40;
	v6 =	vld.idx.msk [tilespmem:v6+s7+$0x0], $0xffff  }
0xdd: {  	v2 =	vor.u32 $0x80, v2;
	_ =	sdelay $0x1  }
0xde: {  	[tilespmem:$0x1E60] =	vst v3  }
0xdf: {  	v1 =	vld.idx.msk [tilespmem:v38+s7+$0x0], $0xffff;
	[tilespmem:$0x1B70] =	vst v4  }
0xe0: {  	v44 =	vld.idx.msk [tilespmem:v5+s7+$0x0], $0xffff;
	[tilespmem:$0x1EE0] =	vst v6  }
0xe1: {  	v2 =	vld.idx.msk [tilespmem:v2+s7+$0x0], $0xffff;
	_ =	sdelay $0x2  }
0xe2: {  	[tilespmem:$0x1E70] =	vst v1  }
0xe3: {  	[tilespmem:$0x1F00] =	vst v44  }
0xe4: {  	[tilespmem:$0x1EF0] =	vst v2  }
0xe5: {  	v1 =	vld [tilespmem:$0x190]  }
0xe6: {  	v45 =	vld [tilespmem:$0x0]  }
0xe7: {  	v46 =	vld [tilespmem:$0x10];
	_ =	sdelay $0x1  }
0xe8: {  	v0 =	vor.u32 $0x180, v0;
	_ =	sdelay $0x1  }
0xe9: {  	v47 =	vshll.u32 v45, $0x3  }
0xea: {  	v48 =	vld [tilespmem:$0x10];
	v2 =	vand.u32 $0x7F, v45;
	v49 =	vshll.u32 v46, $0x3;
	v4 =	vand.u32 $0xFFFFFC00, v47  }
0xeb: {  	v52 =	vld [tilespmem:$0x20];
	v50 =	vand.u32 $0x7F, v46;
	v51 =	vand.u32 $0xFFFFFC00, v49;
	v9 =	vor.u32 v2, v4  }
0xec: {  	v0 =	vld.idx.msk [tilespmem:v0+s7+$0x0], $0xffff;
	v2 =	vor.u32 v51, v50;
	v53 =	vor.u32 $0x200, v9  }
0xed: {  	v2 =	vor.u32 $0x180, v2;
	_ =	sdelay $0x1  }
0xee: {  	v55 =	vld [tilespmem:$0x20];
	v54 =	vshll.u32 v48, $0x3  }
0xef: {  	v59 =	vld [tilespmem:$0x30];
	v5 =	vand.u32 $0x7F, v48;
	v56 =	vshll.u32 v52, $0x3;
	v3 =	vand.u32 $0xFFFFFC00, v54  }
0xf0: {  	[tilespmem:$0x1380] =	vst v0;
	v57 =	vand.u32 $0x7F, v52;
	v58 =	vand.u32 $0xFFFFFC00, v56;
	v3 =	vor.u32 v3, v5;
	v6 =	vld.idx.msk [tilespmem:v53+s7+$0x0], $0xffff  }
0xf1: {  	v0 =	vor.u32 v58, v57;
	v3 =	vor.u32 $0x200, v3;
	v2 =	vld.idx.msk [tilespmem:v2+s7+$0x0], $0xffff  }
0xf2: {  	v0 =	vor.u32 $0x180, v0;
	_ =	sdelay $0x1  }
0xf3: {  	v62 =	vld [tilespmem:$0x30];
	v60 =	vshll.u32 v55, $0x3  }
0xf4: {  	v14 =	vld [tilespmem:$0x40];
	v61 =	vand.u32 $0x7F, v55;
	v63 =	vshll.u32 v59, $0x3;
	v4 =	vand.u32 $0xFFFFFC00, v60;
	[tilespmem:$0x1400] =	vst v6  }
0xf5: {  	v12 =	vand.u32 $0x7F, v59;
	v13 =	vand.u32 $0xFFFFFC00, v63;
	v4 =	vor.u32 v4, v61;
	[tilespmem:$0x1390] =	vst v2;
	v3 =	vld.idx.msk [tilespmem:v3+s7+$0x0], $0xffff  }
0xf6: {  	v4 =	vor.u32 $0x200, v4;
	v2 =	vor.u32 v13, v12;
	v0 =	vld.idx.msk [tilespmem:v0+s7+$0x0], $0xffff  }
0xf7: {  	v2 =	vor.u32 $0x180, v2;
	_ =	sdelay $0x1  }
0xf8: {  	v17 =	vld [tilespmem:$0x40];
	v15 =	vshll.u32 v62, $0x3  }
0xf9: {  	v21 =	vld [tilespmem:$0x50];
	v16 =	vand.u32 $0x7F, v62;
	v18 =	vshll.u32 v14, $0x3;
	v5 =	vand.u32 $0xFFFFFC00, v15;
	[tilespmem:$0x1410] =	vst v3  }
0xfa: {  	v19 =	vand.u32 $0x7F, v14;
	v20 =	vand.u32 $0xFFFFFC00, v18;
	v3 =	vor.u32 v5, v16;
	[tilespmem:$0x13A0] =	vst v0;
	v4 =	vld.idx.msk [tilespmem:v4+s7+$0x0], $0xffff  }
0xfb: {  	v0 =	vor.u32 v20, v19;
	v3 =	vor.u32 $0x200, v3;
	v2 =	vld.idx.msk [tilespmem:v2+s7+$0x0], $0xffff  }
0xfc: {  	v0 =	vor.u32 $0x180, v0;
	_ =	sdelay $0x1  }
0xfd: {  	v24 =	vld [tilespmem:$0x50];
	v22 =	vshll.u32 v17, $0x3  }
0xfe: {  	v28 =	vld [tilespmem:$0x60];
	v23 =	vand.u32 $0x7F, v17;
	v25 =	vshll.u32 v21, $0x3;
	v5 =	vand.u32 $0xFFFFFC00, v22;
	[tilespmem:$0x1420] =	vst v4  }
0xff: {  	v26 =	vand.u32 $0x7F, v21;
	v27 =	vand.u32 $0xFFFFFC00, v25;
	v4 =	vor.u32 v5, v23;
	[tilespmem:$0x13B0] =	vst v2;
	v3 =	vld.idx.msk [tilespmem:v3+s7+$0x0], $0xffff  }
0x100: {  	v2 =	vor.u32 v27, v26;
	v4 =	vor.u32 $0x200, v4;
	v0 =	vld.idx.msk [tilespmem:v0+s7+$0x0], $0xffff  }
0x101: {  	v2 =	vor.u32 $0x180, v2;
	_ =	sdelay $0x1  }
0x102: {  	v31 =	vld [tilespmem:$0x60];
	v29 =	vshll.u32 v24, $0x3  }
0x103: {  	v35 =	vld [tilespmem:$0x70];
	v30 =	vand.u32 $0x7F, v24;
	v32 =	vshll.u32 v28, $0x3;
	v5 =	vand.u32 $0xFFFFFC00, v29;
	[tilespmem:$0x1430] =	vst v3  }
0x104: {  	v33 =	vand.u32 $0x7F, v28;
	v34 =	vand.u32 $0xFFFFFC00, v32;
	v3 =	vor.u32 v5, v30;
	[tilespmem:$0x13C0] =	vst v0;
	v4 =	vld.idx.msk [tilespmem:v4+s7+$0x0], $0xffff  }
0x105: {  	v0 =	vor.u32 v34, v33;
	v3 =	vor.u32 $0x200, v3;
	v2 =	vld.idx.msk [tilespmem:v2+s7+$0x0], $0xffff  }
0x106: {  	v0 =	vor.u32 $0x180, v0;
	_ =	sdelay $0x1  }
0x107: {  	v38 =	vld [tilespmem:$0x70];
	v36 =	vshll.u32 v31, $0x3  }
0x108: {  	v42 =	vld [tilespmem:$0x80];
	v37 =	vand.u32 $0x7F, v31;
	v39 =	vshll.u32 v35, $0x3;
	v5 =	vand.u32 $0xFFFFFC00, v36;
	[tilespmem:$0x1440] =	vst v4  }
0x109: {  	v40 =	vand.u32 $0x7F, v35;
	v41 =	vand.u32 $0xFFFFFC00, v39;
	v4 =	vor.u32 v5, v37;
	[tilespmem:$0x13D0] =	vst v2;
	v3 =	vld.idx.msk [tilespmem:v3+s7+$0x0], $0xffff  }
0x10a: {  	v2 =	vor.u32 v41, v40;
	v4 =	vor.u32 $0x200, v4;
	v0 =	vld.idx.msk [tilespmem:v0+s7+$0x0], $0xffff  }
0x10b: {  	v2 =	vor.u32 $0x180, v2;
	_ =	sdelay $0x1  }
0x10c: {  	v43 =	vshll.u32 v38, $0x3;
	v45 =	vld [tilespmem:$0x80]  }
0x10d: {  	v44 =	vand.u32 $0x7F, v38;
	v46 =	vshll.u32 v42, $0x3;
	v49 =	vld [tilespmem:$0x90];
	v5 =	vand.u32 $0xFFFFFC00, v43;
	[tilespmem:$0x1450] =	vst v3  }
0x10e: {  	v47 =	vand.u32 $0x7F, v42;
	v48 =	vand.u32 $0xFFFFFC00, v46;
	v3 =	vor.u32 v5, v44;
	[tilespmem:$0x13E0] =	vst v0;
	v4 =	vld.idx.msk [tilespmem:v4+s7+$0x0], $0xffff  }
0x10f: {  	v0 =	vor.u32 v48, v47;
	v3 =	vor.u32 $0x200, v3;
	v2 =	vld.idx.msk [tilespmem:v2+s7+$0x0], $0xffff  }
0x110: {  	v0 =	vor.u32 $0x180, v0;
	_ =	sdelay $0x1  }
0x111: {  	v52 =	vld [tilespmem:$0x90];
	v50 =	vshll.u32 v45, $0x3  }
0x112: {  	v56 =	vld [tilespmem:$0xA0];
	v51 =	vand.u32 $0x7F, v45;
	v53 =	vshll.u32 v49, $0x3;
	v5 =	vand.u32 $0xFFFFFC00, v50;
	[tilespmem:$0x1460] =	vst v4  }
0x113: {  	v54 =	vand.u32 $0x7F, v49;
	v55 =	vand.u32 $0xFFFFFC00, v53;
	v4 =	vor.u32 v5, v51;
	[tilespmem:$0x13F0] =	vst v2;
	v3 =	vld.idx.msk [tilespmem:v3+s7+$0x0], $0xffff  }
0x114: {  	v2 =	vor.u32 v55, v54;
	v4 =	vor.u32 $0x200, v4;
	v0 =	vld.idx.msk [tilespmem:v0+s7+$0x0], $0xffff  }
0x115: {  	v2 =	vor.u32 $0x180, v2;
	_ =	sdelay $0x1  }
0x116: {  	v59 =	vld [tilespmem:$0xA0];
	v57 =	vshll.u32 v52, $0x3  }
0x117: {  	v63 =	vld [tilespmem:$0xB0];
	v58 =	vand.u32 $0x7F, v52;
	v60 =	vshll.u32 v56, $0x3;
	v5 =	vand.u32 $0xFFFFFC00, v57;
	[tilespmem:$0x1470] =	vst v3  }
0x118: {  	v61 =	vand.u32 $0x7F, v56;
	v62 =	vand.u32 $0xFFFFFC00, v60;
	v3 =	vor.u32 v5, v58;
	[tilespmem:$0x1780] =	vst v0;
	v4 =	vld.idx.msk [tilespmem:v4+s7+$0x0], $0xffff  }
0x119: {  	v0 =	vor.u32 v62, v61;
	v3 =	vor.u32 $0x200, v3;
	v2 =	vld.idx.msk [tilespmem:v2+s7+$0x0], $0xffff  }
0x11a: {  	v0 =	vor.u32 $0x180, v0;
	_ =	sdelay $0x1  }
0x11b: {  	v17 =	vld [tilespmem:$0xC0];
	v11 =	vshll.u32 v59, $0x3  }
0x11c: {  	v14 =	vshll.u32 v63, $0x3;
	v12 =	vand.u32 $0x7F, v59;
	v13 =	vld [tilespmem:$0xB0];
	v5 =	vand.u32 $0xFFFFFC00, v11;
	[tilespmem:$0x1800] =	vst v4  }
0x11d: {  	v15 =	vand.u32 $0x7F, v63;
	v16 =	vand.u32 $0xFFFFFC00, v14;
	v4 =	vor.u32 v5, v12;
	[tilespmem:$0x1790] =	vst v2;
	v3 =	vld.idx.msk [tilespmem:v3+s7+$0x0], $0xffff  }
0x11e: {  	v2 =	vor.u32 v16, v15;
	v4 =	vor.u32 $0x200, v4;
	v0 =	vld.idx.msk [tilespmem:v0+s7+$0x0], $0xffff  }
0x11f: {  	v2 =	vor.u32 $0x180, v2;
	_ =	sdelay $0x1  }
0x120: {  	v24 =	vld [tilespmem:$0xD0];
	v18 =	vshll.u32 v13, $0x3  }
0x121: {  	v21 =	vshll.u32 v17, $0x3;
	v19 =	vand.u32 $0x7F, v13;
	v20 =	vld [tilespmem:$0xC0];
	v5 =	vand.u32 $0xFFFFFC00, v18;
	[tilespmem:$0x1810] =	vst v3  }
0x122: {  	v22 =	vand.u32 $0x7F, v17;
	v23 =	vand.u32 $0xFFFFFC00, v21;
	v3 =	vor.u32 v5, v19;
	[tilespmem:$0x17A0] =	vst v0;
	v4 =	vld.idx.msk [tilespmem:v4+s7+$0x0], $0xffff  }
0x123: {  	v0 =	vor.u32 v23, v22;
	v3 =	vor.u32 $0x200, v3;
	v2 =	vld.idx.msk [tilespmem:v2+s7+$0x0], $0xffff  }
0x124: {  	v8 =	vld [tilespmem:$0x1E0];
	v0 =	vor.u32 $0x180, v0  }
0x125: {  	v7 =	vld [tilespmem:$0x1F0]  }
0x126: {  	v31 =	vld [tilespmem:$0xE0];
	v25 =	vshll.u32 v20, $0x3  }
0x127: {  	v28 =	vshll.u32 v24, $0x3;
	v26 =	vand.u32 $0x7F, v20;
	v27 =	vld [tilespmem:$0xD0];
	v5 =	vand.u32 $0xFFFFFC00, v25;
	[tilespmem:$0x1820] =	vst v4  }
0x128: {  	v29 =	vand.u32 $0x7F, v24;
	v30 =	vand.u32 $0xFFFFFC00, v28;
	v4 =	vor.u32 v5, v26;
	[tilespmem:$0x17B0] =	vst v2;
	v3 =	vld.idx.msk [tilespmem:v3+s7+$0x0], $0xffff  }
0x129: {  	v2 =	vor.u32 v30, v29;
	v4 =	vor.u32 $0x200, v4;
	v0 =	vld.idx.msk [tilespmem:v0+s7+$0x0], $0xffff  }
0x12a: {  	v38 =	vld [tilespmem:$0xF0];
	v2 =	vor.u32 $0x180, v2  }
0x12b: {  	v45 =	vld [tilespmem:$0x100]  }
0x12c: {  	v52 =	vld [tilespmem:$0x110];
	v32 =	vshll.u32 v27, $0x3  }
0x12d: {  	v35 =	vshll.u32 v31, $0x3;
	v33 =	vand.u32 $0x7F, v27;
	v34 =	vld [tilespmem:$0xE0];
	v5 =	vand.u32 $0xFFFFFC00, v32;
	[tilespmem:$0x1830] =	vst v3  }
0x12e: {  	v36 =	vand.u32 $0x7F, v31;
	v37 =	vand.u32 $0xFFFFFC00, v35;
	v3 =	vor.u32 v5, v33;
	[tilespmem:$0x17C0] =	vst v0;
	v4 =	vld.idx.msk [tilespmem:v4+s7+$0x0], $0xffff  }
0x12f: {  	v0 =	vor.u32 v37, v36;
	v3 =	vor.u32 $0x200, v3;
	v2 =	vld.idx.msk [tilespmem:v2+s7+$0x0], $0xffff  }
0x130: {  	v59 =	vld [tilespmem:$0x120];
	v0 =	vor.u32 $0x180, v0  }
0x131: {  	v14 =	vld [tilespmem:$0x130]  }
0x132: {  	v17 =	vld [tilespmem:$0x130];
	v39 =	vshll.u32 v34, $0x3  }
0x133: {  	v42 =	vshll.u32 v38, $0x3;
	v40 =	vand.u32 $0x7F, v34;
	v41 =	vld [tilespmem:$0xF0];
	v5 =	vand.u32 $0xFFFFFC00, v39;
	[tilespmem:$0x1840] =	vst v4  }
0x134: {  	v43 =	vand.u32 $0x7F, v38;
	v44 =	vand.u32 $0xFFFFFC00, v42;
	v4 =	vor.u32 v5, v40;
	[tilespmem:$0x17D0] =	vst v2;
	v3 =	vld.idx.msk [tilespmem:v3+s7+$0x0], $0xffff  }
0x135: {  	v2 =	vor.u32 v44, v43;
	v4 =	vor.u32 $0x200, v4;
	v0 =	vld.idx.msk [tilespmem:v0+s7+$0x0], $0xffff  }
0x136: {  	v21 =	vld [tilespmem:$0x140];
	v2 =	vor.u32 $0x180, v2  }
0x137: {  	v24 =	vld [tilespmem:$0x140]  }
0x138: {  	v28 =	vld [tilespmem:$0x150];
	v46 =	vshll.u32 v41, $0x3  }
0x139: {  	v49 =	vshll.u32 v45, $0x3;
	v47 =	vand.u32 $0x7F, v41;
	v48 =	vld [tilespmem:$0x100];
	v5 =	vand.u32 $0xFFFFFC00, v46;
	[tilespmem:$0x1850] =	vst v3  }
0x13a: {  	v50 =	vand.u32 $0x7F, v45;
	v51 =	vand.u32 $0xFFFFFC00, v49;
	v3 =	vor.u32 v5, v47;
	[tilespmem:$0x17E0] =	vst v0;
	v4 =	vld.idx.msk [tilespmem:v4+s7+$0x0], $0xffff  }
0x13b: {  	v0 =	vor.u32 v51, v50;
	v3 =	vor.u32 $0x200, v3;
	v2 =	vld.idx.msk [tilespmem:v2+s7+$0x0], $0xffff  }
0x13c: {  	v31 =	vld [tilespmem:$0x150];
	v0 =	vor.u32 $0x180, v0  }
0x13d: {  	v35 =	vld [tilespmem:$0x160]  }
0x13e: {  	v38 =	vld [tilespmem:$0x160];
	v53 =	vshll.u32 v48, $0x3  }
0x13f: {  	v56 =	vshll.u32 v52, $0x3;
	v54 =	vand.u32 $0x7F, v48;
	v55 =	vld [tilespmem:$0x110];
	v5 =	vand.u32 $0xFFFFFC00, v53;
	[tilespmem:$0x1860] =	vst v4  }
0x140: {  	v57 =	vand.u32 $0x7F, v52;
	v58 =	vand.u32 $0xFFFFFC00, v56;
	v4 =	vor.u32 v5, v54;
	[tilespmem:$0x17F0] =	vst v2;
	v3 =	vld.idx.msk [tilespmem:v3+s7+$0x0], $0xffff  }
0x141: {  	v2 =	vor.u32 v58, v57;
	v4 =	vor.u32 $0x200, v4;
	v0 =	vld.idx.msk [tilespmem:v0+s7+$0x0], $0xffff  }
0x142: {  	v56 =	vld [tilespmem:$0x190];
	v2 =	vor.u32 $0x180, v2  }
0x143: {  	v62 =	vld [tilespmem:$0x120]  }
0x144: {  	v42 =	vld [tilespmem:$0x170];
	v60 =	vshll.u32 v55, $0x3  }
0x145: {  	v63 =	vshll.u32 v59, $0x3;
	v45 =	vld [tilespmem:$0x170];
	v61 =	vand.u32 $0x7F, v55;
	v5 =	vand.u32 $0xFFFFFC00, v60;
	[tilespmem:$0x1870] =	vst v3  }
0x146: {  	v13 =	vand.u32 $0xFFFFFC00, v63;
	v12 =	vand.u32 $0x7F, v59;
	v3 =	vor.u32 v5, v61;
	[tilespmem:$0x1B80] =	vst v0;
	v4 =	vld.idx.msk [tilespmem:v4+s7+$0x0], $0xffff  }
0x147: {  	v63 =	vshll.u32 v56, $0x3;
	v0 =	vor.u32 v13, v12;
	v3 =	vor.u32 $0x200, v3;
	v2 =	vld.idx.msk [tilespmem:v2+s7+$0x0], $0xffff  }
0x148: {  	v49 =	vld [tilespmem:$0x180];
	v15 =	vshll.u32 v62, $0x3;
	v57 =	vshll.u32 v1, $0x3;
	v0 =	vor.u32 $0x180, v0  }
0x149: {  	v52 =	vld [tilespmem:$0x180];
	v18 =	vshll.u32 v14, $0x3;
	v1 =	vand.u32 $0x7F, v1;
	v58 =	vand.u32 $0xFFFFFC00, v57  }
0x14a: {  	v16 =	vand.u32 $0x7F, v62;
	v59 =	vld [tilespmem:$0x1A0];
	v20 =	vand.u32 $0xFFFFFC00, v18;
	v1 =	vor.u32 v58, v1  }
0x14b: {  	v62 =	vld [tilespmem:$0x190];
	v19 =	vand.u32 $0x7F, v14;
	v1 =	vor.u32 $0x100, v1;
	v5 =	vand.u32 $0xFFFFFC00, v15;
	[tilespmem:$0x1C00] =	vst v4  }
0x14c: {  	v13 =	vand.u32 $0xFFFFFC00, v63;
	v63 =	vor.u32 $0x280, v9;
	v4 =	vor.u32 v5, v16;
	[tilespmem:$0x1B90] =	vst v2;
	v3 =	vld.idx.msk [tilespmem:v3+s7+$0x0], $0xffff  }
0x14d: {  	v2 =	vor.u32 v20, v19;
	v4 =	vor.u32 $0x200, v4;
	v0 =	vld.idx.msk [tilespmem:v0+s7+$0x0], $0xffff  }
0x14e: {  	v18 =	vld [tilespmem:$0x1B0];
	v2 =	vor.u32 $0x180, v2  }
0x14f: {  	v14 =	vld [tilespmem:$0x1A0]  }
0x150: {  	v22 =	vshll.u32 v17, $0x3;
	v1 =	vld.idx.msk [tilespmem:v1+s7+$0x0], $0xffff  }
0x151: {  	v23 =	vand.u32 $0x7F, v17;
	v25 =	vshll.u32 v21, $0x3;
	v11 =	vld.idx.msk [tilespmem:v63+s7+$0x0], $0xffff;
	v5 =	vand.u32 $0xFFFFFC00, v22;
	[tilespmem:$0x1C10] =	vst v3  }
0x152: {  	v27 =	vand.u32 $0xFFFFFC00, v25;
	v26 =	vand.u32 $0x7F, v21;
	v3 =	vor.u32 v5, v23;
	[tilespmem:$0x1BA0] =	vst v0;
	v4 =	vld.idx.msk [tilespmem:v4+s7+$0x0], $0xffff  }
0x153: {  	v29 =	vshll.u32 v24, $0x3;
	v0 =	vor.u32 v27, v26;
	v3 =	vor.u32 $0x200, v3;
	v2 =	vld.idx.msk [tilespmem:v2+s7+$0x0], $0xffff  }
0x154: {  	v30 =	vand.u32 $0x7F, v24;
	v32 =	vshll.u32 v28, $0x3;
	v63 =	vld [tilespmem:$0x70];
	v0 =	vor.u32 $0x180, v0  }
0x155: {  	v24 =	vand.u32 $0x7F, v14;
	v34 =	vand.u32 $0xFFFFFC00, v32;
	v33 =	vand.u32 $0x7F, v28;
	v22 =	vld [tilespmem:$0x1A0]  }
0x156: {  	v36 =	vshll.u32 v31, $0x3;
	v19 =	vshll.u32 v62, $0x3;
	v20 =	vand.u32 $0x7F, v62;
	v62 =	vld [tilespmem:$0x10]  }
0x157: {  	v37 =	vand.u32 $0x7F, v31;
	v39 =	vshll.u32 v35, $0x3;
	v5 =	vand.u32 $0xFFFFFC00, v29;
	v26 =	vld [tilespmem:$0x1B0];
	[tilespmem:$0x1C20] =	vst v4  }
0x158: {  	v28 =	vand.u32 $0x7F, v18;
	v41 =	vand.u32 $0xFFFFFC00, v39;
	v4 =	vor.u32 v5, v30;
	[tilespmem:$0x1BB0] =	vst v2;
	v3 =	vld.idx.msk [tilespmem:v3+s7+$0x0], $0xffff  }
0x159: {  	v15 =	vshll.u32 v59, $0x3;
	v2 =	vor.u32 v34, v33;
	v4 =	vor.u32 $0x200, v4;
	v0 =	vld.idx.msk [tilespmem:v0+s7+$0x0], $0xffff  }
0x15a: {  	v17 =	vand.u32 $0xFFFFFC00, v15;
	v23 =	vshll.u32 v14, $0x3;
	v14 =	vld [tilespmem:$0x10];
	v2 =	vor.u32 $0x180, v2  }
0x15b: {  	v15 =	vshll.u32 v62, $0x3;
	v10 =	vand.u32 $0x7F, v62;
	v27 =	vshll.u32 v18, $0x3;
	v18 =	vld [tilespmem:$0x20]  }
0x15c: {  	[tilespmem:$0x1F10] =	vst v1;
	v15 =	vand.u32 $0xFFFFFC00, v15;
	v25 =	vand.u32 $0xFFFFFC00, v23;
	v29 =	vand.u32 $0xFFFFFC00, v27;
	v23 =	vld [tilespmem:$0x30]  }
0x15d: {  	v10 =	vor.u32 v15, v10;
	v1 =	vor.u32 v29, v28;
	v29 =	vld [tilespmem:$0x30];
	v5 =	vand.u32 $0xFFFFFC00, v36;
	[tilespmem:$0x1C30] =	vst v3  }
0x15e: {  	v40 =	vand.u32 $0x7F, v35;
	v10 =	vor.u32 $0x280, v10;
	v3 =	vor.u32 v5, v37;
	[tilespmem:$0x1BC0] =	vst v0;
	v4 =	vld.idx.msk [tilespmem:v4+s7+$0x0], $0xffff  }
0x15f: {  	v0 =	vor.u32 v41, v40;
	v3 =	vor.u32 $0x200, v3;
	v2 =	vld.idx.msk [tilespmem:v2+s7+$0x0], $0xffff  }
0x160: {  	v30 =	vld [tilespmem:$0x1C0];
	v0 =	vor.u32 $0x180, v0  }
0x161: {  	v43 =	vshll.u32 v38, $0x3;
	v44 =	vand.u32 $0x7F, v38;
	v46 =	vshll.u32 v42, $0x3;
	v33 =	vld [tilespmem:$0x1B0]  }
0x162: {  	v48 =	vand.u32 $0xFFFFFC00, v46;
	[tilespmem:$0x1480] =	vst v11;
	v35 =	vand.u32 $0x7F, v26;
	v34 =	vshll.u32 v26, $0x3;
	v26 =	vld [tilespmem:$0x30]  }
0x163: {  	v47 =	vand.u32 $0x7F, v42;
	v31 =	vshll.u32 v22, $0x3;
	v10 =	vld.idx.msk [tilespmem:v10+s7+$0x0], $0xffff;
	v5 =	vand.u32 $0xFFFFFC00, v43;
	[tilespmem:$0x1C40] =	vst v4  }
0x164: {  	v6 =	vand.u32 $0xFFFFFC00, v31;
	v31 =	vand.u32 $0x7F, v23;
	v4 =	vor.u32 v5, v44;
	[tilespmem:$0x1BD0] =	vst v2;
	v3 =	vld.idx.msk [tilespmem:v3+s7+$0x0], $0xffff  }
0x165: {  	v38 =	vshll.u32 v30, $0x3;
	v2 =	vor.u32 v48, v47;
	v4 =	vor.u32 $0x200, v4;
	v0 =	vld.idx.msk [tilespmem:v0+s7+$0x0], $0xffff  }
0x166: {  	v39 =	vand.u32 $0x7F, v30;
	v30 =	vshll.u32 v23, $0x3;
	v23 =	vld [tilespmem:$0x70];
	v2 =	vor.u32 $0x180, v2  }
0x167: {  	v37 =	vld [tilespmem:$0x1C0]  }
0x168: {  	v41 =	vld [tilespmem:$0x1D0]  }
0x169: {  	v50 =	vshll.u32 v45, $0x3;
	v42 =	vshll.u32 v33, $0x3;
	v43 =	vand.u32 $0x7F, v33;
	v33 =	vld [tilespmem:$0x40];
	[tilespmem:$0x1C50] =	vst v3  }
0x16a: {  	v51 =	vand.u32 $0x7F, v45;
	v53 =	vshll.u32 v49, $0x3;
	v5 =	vand.u32 $0xFFFFFC00, v50;
	[tilespmem:$0x1BE0] =	vst v0;
	v4 =	vld.idx.msk [tilespmem:v4+s7+$0x0], $0xffff  }
0x16b: {  	v55 =	vand.u32 $0xFFFFFC00, v53;
	v54 =	vand.u32 $0x7F, v49;
	v3 =	vor.u32 v5, v51;
	v2 =	vld.idx.msk [tilespmem:v2+s7+$0x0], $0xffff  }
0x16c: {  	v44 =	vld [tilespmem:$0x1C0];
	v0 =	vor.u32 v55, v54;
	v3 =	vor.u32 $0x200, v3  }
0x16d: {  	v60 =	vshll.u32 v52, $0x3;
	v61 =	vand.u32 $0x7F, v52;
	v48 =	vld [tilespmem:$0x1D0];
	v0 =	vor.u32 $0x180, v0  }
0x16e: {  	v12 =	vand.u32 $0x7F, v56;
	v16 =	vand.u32 $0x7F, v59;
	v49 =	vshll.u32 v41, $0x3;
	v54 =	vld [tilespmem:$0x1D0]  }
0x16f: {  	v21 =	vand.u32 $0xFFFFFC00, v19;
	v32 =	vand.u32 $0x7F, v22;
	v51 =	vand.u32 $0xFFFFFC00, v49;
	v49 =	vld [tilespmem:$0x50];
	[tilespmem:$0x1C60] =	vst v4  }
0x170: {  	v1 =	vor.u32 $0x100, v1;
	v5 =	vand.u32 $0xFFFFFC00, v60;
	[tilespmem:$0x1BF0] =	vst v2;
	v2 =	vor.u32 v13, v12;
	v12 =	vld [tilespmem:$0x10]  }
0x171: {  	v4 =	vor.u32 v5, v61;
	v5 =	vor.u32 v17, v16;
	v13 =	vor.u32 $0x300, v9;
	v3 =	vld.idx.msk [tilespmem:v3+s7+$0x0], $0xffff  }
0x172: {  	v27 =	vshll.u32 v18, $0x3;
	v28 =	vand.u32 $0x7F, v18;
	v0 =	vld.idx.msk [tilespmem:v0+s7+$0x0], $0xffff;
	v5 =	vor.u32 $0x100, v5  }
0x173: {  	v40 =	vand.u32 $0xFFFFFC00, v38;
	v55 =	vshll.u32 v48, $0x3;
	v16 =	vld [tilespmem:$0x20];
	v9 =	vor.u32 $0x380, v9  }
0x174: {  	v56 =	vand.u32 $0x7F, v48;
	v57 =	vand.u32 $0xFFFFFC00, v55;
	v17 =	vld [tilespmem:$0x20];
	v4 =	vor.u32 $0x200, v4  }
0x175: {  	v50 =	vand.u32 $0x7F, v41;
	v59 =	vor.u32 v57, v56;
	v56 =	vld [tilespmem:$0x60];
	v2 =	vor.u32 $0x180, v2  }
0x176: {  	v41 =	vand.u32 $0x7F, v33;
	v19 =	vshll.u32 v12, $0x3;
	v12 =	vand.u32 $0x7F, v12;
	v13 =	vld.idx.msk [tilespmem:v13+s7+$0x0], $0xffff;
	[tilespmem:$0x1C70] =	vst v3  }
0x177: {  	v3 =	vor.u32 v21, v20;
	[tilespmem:$0x1F80] =	vst v0;
	v0 =	vor.u32 v25, v24;
	v5 =	vld.idx.msk [tilespmem:v5+s7+$0x0], $0xffff;
	v15 =	vand.u32 $0xFFFFFC00, v19  }
0x178: {  	v9 =	vld.idx.msk [tilespmem:v9+s7+$0x0], $0xffff;
	v20 =	vshll.u32 v14, $0x3;
	v14 =	vand.u32 $0x7F, v14;
	v19 =	vshll.u32 v16, $0x3  }
0x179: {  	v21 =	vand.u32 $0x7F, v16;
	v24 =	vshll.u32 v17, $0x3;
	v25 =	vand.u32 $0x7F, v17;
	v4 =	vld.idx.msk [tilespmem:v4+s7+$0x0], $0xffff  }
0x17a: {  	v2 =	vld.idx.msk [tilespmem:v2+s7+$0x0], $0xffff;
	v12 =	vor.u32 v15, v12;
	v15 =	vand.u32 $0xFFFFFC00, v20;
	v22 =	vand.u32 $0xFFFFFC00, v19  }
0x17b: {  	v11 =	vor.u32 v22, v21;
	v21 =	vshll.u32 v56, $0x3;
	v22 =	vand.u32 $0x7F, v56;
	v56 =	vld [tilespmem:$0xA0]  }
0x17c: {  	v14 =	vor.u32 v15, v14;
	v15 =	vand.u32 $0xFFFFFC00, v24;
	[tilespmem:$0x1F20] =	vst v5;
	v5 =	vor.u32 v40, v39;
	v39 =	vld [tilespmem:$0x40]  }
0x17d: {  	[tilespmem:$0x1500] =	vst v13;
	v13 =	vor.u32 v15, v25;
	v15 =	vand.u32 $0xFFFFFC00, v27;
	v40 =	vshll.u32 v33, $0x3;
	v33 =	vld [tilespmem:$0x80]  }
0x17e: {  	[tilespmem:$0x1580] =	vst v9;
	v27 =	vshll.u32 v63, $0x3;
	v9 =	vor.u32 v15, v28;
	v28 =	vand.u32 $0x7F, v63;
	v63 =	vld [tilespmem:$0xB0]  }
0x17f: {  	v36 =	vand.u32 $0xFFFFFC00, v34;
	v3 =	vor.u32 $0x200, v3;
	v1 =	vld.idx.msk [tilespmem:v1+s7+$0x0], $0xffff  }
0x180: {  	v0 =	vor.u32 $0x180, v0;
	[tilespmem:$0x1F90] =	vst v2;
	v2 =	vor.u32 v36, v35;
	v36 =	vld [tilespmem:$0x40]  }
0x181: {  	v34 =	vshll.u32 v26, $0x3;
	v12 =	vor.u32 $0x300, v12;
	v35 =	vand.u32 $0x7F, v26;
	v26 =	vld [tilespmem:$0x70]  }
0x182: {  	v14 =	vor.u32 $0x380, v14;
	[tilespmem:$0x2000] =	vst v4;
	v4 =	vor.u32 v6, v32;
	v32 =	vand.u32 $0xFFFFFC00, v30;
	v30 =	vld [tilespmem:$0x80]  }
0x183: {  	v11 =	vor.u32 $0x280, v11;
	v6 =	vand.u32 $0xFFFFFC00, v42;
	v42 =	vand.u32 $0xFFFFFC00, v40;
	v40 =	vld [tilespmem:$0x90]  }
0x184: {  	v3 =	vld.idx.msk [tilespmem:v3+s7+$0x0], $0xffff  }
0x185: {  	v5 =	vor.u32 $0x100, v5;
	v0 =	vld.idx.msk [tilespmem:v0+s7+$0x0], $0xffff  }
0x186: {  	v45 =	vshll.u32 v37, $0x3;
	v12 =	vld.idx.msk [tilespmem:v12+s7+$0x0], $0xffff  }
0x187: {  	[tilespmem:$0x1490] =	vst v10;
	v47 =	vand.u32 $0xFFFFFC00, v45;
	v2 =	vor.u32 $0x180, v2;
	v14 =	vld.idx.msk [tilespmem:v14+s7+$0x0], $0xffff  }
0x188: {  	v52 =	vshll.u32 v44, $0x3;
	v53 =	vand.u32 $0x7F, v44;
	v13 =	vor.u32 $0x300, v13;
	v11 =	vld.idx.msk [tilespmem:v11+s7+$0x0], $0xffff  }
0x189: {  	v9 =	vor.u32 $0x380, v9;
	[tilespmem:$0x1F30] =	vst v1;
	v44 =	vshll.u32 v36, $0x3;
	v45 =	vand.u32 $0x7F, v36;
	v36 =	vld [tilespmem:$0x80]  }
0x18a: {  	v38 =	vand.u32 $0x7F, v29;
	v46 =	vand.u32 $0x7F, v37;
	v37 =	vshll.u32 v29, $0x3;
	[tilespmem:$0x2010] =	vst v3;
	v5 =	vld.idx.msk [tilespmem:v5+s7+$0x0], $0xffff  }
0x18b: {  	v4 =	vor.u32 $0x200, v4;
	v10 =	vor.u32 v32, v31;
	v3 =	vor.u32 v6, v43;
	[tilespmem:$0x1FA0] =	vst v0;
	v43 =	vld [tilespmem:$0x50]  }
0x18c: {  	v15 =	vand.u32 $0xFFFFFC00, v34;
	v10 =	vor.u32 $0x280, v10;
	v0 =	vor.u32 v47, v46;
	[tilespmem:$0x1510] =	vst v12;
	v2 =	vld.idx.msk [tilespmem:v2+s7+$0x0], $0xffff  }
0x18d: {  	v12 =	vor.u32 v15, v35;
	v15 =	vand.u32 $0xFFFFFC00, v37;
	v0 =	vor.u32 $0x180, v0;
	v13 =	vld.idx.msk [tilespmem:v13+s7+$0x0], $0xffff;
	[tilespmem:$0x1590] =	vst v14  }
0x18e: {  	v12 =	vor.u32 $0x300, v12;
	v14 =	vor.u32 v15, v38;
	v9 =	vld.idx.msk [tilespmem:v9+s7+$0x0], $0xffff  }
0x18f: {  	v60 =	vshll.u32 v54, $0x3;
	v46 =	vld [tilespmem:$0x50];
	v14 =	vor.u32 $0x380, v14  }
0x190: {  	v57 =	vshll.u32 v49, $0x3;
	v61 =	vand.u32 $0x7F, v54;
	v1 =	vor.u32 v51, v50;
	v4 =	vld.idx.msk [tilespmem:v4+s7+$0x0], $0xffff;
	[tilespmem:$0x14A0] =	vst v11  }
0x191: {  	v48 =	vand.u32 $0x7F, v39;
	v34 =	vshll.u32 v26, $0x3;
	v1 =	vor.u32 $0x100, v1;
	v10 =	vld.idx.msk [tilespmem:v10+s7+$0x0], $0xffff;
	[tilespmem:$0x1FB0] =	vst v2  }
0x192: {  	v47 =	vshll.u32 v39, $0x3;
	v11 =	vor.u32 v42, v41;
	v15 =	vand.u32 $0xFFFFFC00, v44;
	[tilespmem:$0x1520] =	vst v13;
	v58 =	vld.idx.msk [tilespmem:v0+s7+$0x0], $0xffff  }
0x193: {  	v11 =	vor.u32 $0x280, v11;
	v13 =	vor.u32 v15, v45;
	v15 =	vand.u32 $0xFFFFFC00, v47;
	v12 =	vld.idx.msk [tilespmem:v12+s7+$0x0], $0xffff;
	[tilespmem:$0x15A0] =	vst v9  }
0x194: {  	v6 =	vand.u32 $0xFFFFFC00, v52;
	v13 =	vor.u32 $0x300, v13;
	v9 =	vor.u32 v15, v48;
	v14 =	vld.idx.msk [tilespmem:v14+s7+$0x0], $0xffff  }
0x195: {  	v35 =	vand.u32 $0x7F, v26;
	v26 =	vld [tilespmem:$0xC0];
	v50 =	vshll.u32 v43, $0x3;
	[tilespmem:$0x2020] =	vst v4;
	v9 =	vor.u32 $0x380, v9  }
0x196: {  	v51 =	vand.u32 $0x7F, v43;
	v4 =	vor.u32 v6, v53;
	v52 =	vand.u32 $0xFFFFFC00, v50;
	v53 =	vld [tilespmem:$0x60];
	[tilespmem:$0x14B0] =	vst v10  }
0x197: {  	v54 =	vshll.u32 v46, $0x3;
	v2 =	vor.u32 $0x180, v59;
	v59 =	vld [tilespmem:$0x60];
	v10 =	vor.u32 v52, v51;
	[tilespmem:$0x1FC0] =	vst v58  }
0x198: {  	v55 =	vand.u32 $0x7F, v46;
	v15 =	vand.u32 $0xFFFFFC00, v54;
	v11 =	vld.idx.msk [tilespmem:v11+s7+$0x0], $0xffff;
	v10 =	vor.u32 $0x280, v10;
	[tilespmem:$0x1530] =	vst v12  }
0x199: {  	v12 =	vor.u32 v15, v55;
	v58 =	vand.u32 $0x7F, v49;
	v15 =	vand.u32 $0xFFFFFC00, v57;
	v13 =	vld.idx.msk [tilespmem:v13+s7+$0x0], $0xffff;
	[tilespmem:$0x15B0] =	vst v14  }
0x19a: {  	[tilespmem:$0x1F40] =	vst v5;
	v12 =	vor.u32 $0x300, v12;
	v14 =	vor.u32 v15, v58;
	v9 =	vld.idx.msk [tilespmem:v9+s7+$0x0], $0xffff  }
0x19b: {  	v0 =	vld.idx.msk [tilespmem:v1+s7+$0x0], $0xffff;
	v1 =	vand.u32 $0xFFFFFC00, v60;
	v14 =	vor.u32 $0x380, v14  }
0x19c: {  	v5 =	vld [tilespmem:$0x1F0];
	v1 =	vor.u32 v1, v61;
	v60 =	vshll.u32 v53, $0x3  }
0x19d: {  	v43 =	vld [tilespmem:$0x90];
	v61 =	vand.u32 $0x7F, v53;
	v24 =	vshll.u32 v59, $0x3;
	v62 =	vand.u32 $0xFFFFFC00, v60;
	[tilespmem:$0x14C0] =	vst v11  }
0x19e: {  	v25 =	vand.u32 $0x7F, v59;
	v11 =	vor.u32 v62, v61;
	v15 =	vand.u32 $0xFFFFFC00, v21;
	v10 =	vld.idx.msk [tilespmem:v10+s7+$0x0], $0xffff;
	[tilespmem:$0x1540] =	vst v13  }
0x19f: {  	v11 =	vor.u32 $0x280, v11;
	v13 =	vor.u32 v15, v22;
	v15 =	vand.u32 $0xFFFFFC00, v24;
	v12 =	vld.idx.msk [tilespmem:v12+s7+$0x0], $0xffff;
	[tilespmem:$0x15C0] =	vst v9  }
0x1a0: {  	v13 =	vor.u32 $0x300, v13;
	v9 =	vor.u32 v15, v25;
	v14 =	vld.idx.msk [tilespmem:v14+s7+$0x0], $0xffff  }
0x1a1: {  	v46 =	vld [tilespmem:$0x90];
	v9 =	vor.u32 $0x380, v9  }
0x1a2: {  	v6 =	vld [tilespmem:$0x1E0]  }
0x1a3: {  	v29 =	vand.u32 $0xFFFFFC00, v27;
	v31 =	vshll.u32 v23, $0x3;
	v3 =	vor.u32 $0x200, v3;
	v50 =	vld [tilespmem:$0xA0];
	[tilespmem:$0x14D0] =	vst v10  }
0x1a4: {  	v32 =	vand.u32 $0x7F, v23;
	v10 =	vor.u32 v29, v28;
	v15 =	vand.u32 $0xFFFFFC00, v31;
	v11 =	vld.idx.msk [tilespmem:v11+s7+$0x0], $0xffff;
	[tilespmem:$0x1550] =	vst v12  }
0x1a5: {  	v10 =	vor.u32 $0x280, v10;
	v12 =	vor.u32 v15, v32;
	v15 =	vand.u32 $0xFFFFFC00, v34;
	v13 =	vld.idx.msk [tilespmem:v13+s7+$0x0], $0xffff;
	[tilespmem:$0x15D0] =	vst v14  }
0x1a6: {  	v12 =	vor.u32 $0x300, v12;
	v14 =	vor.u32 v15, v35;
	v9 =	vld.idx.msk [tilespmem:v9+s7+$0x0], $0xffff  }
0x1a7: {  	v44 =	vshll.u32 v36, $0x3;
	v45 =	vand.u32 $0x7F, v36;
	v36 =	vld [tilespmem:$0xD0];
	v14 =	vor.u32 $0x380, v14  }
0x1a8: {  	v37 =	vshll.u32 v30, $0x3;
	v38 =	vand.u32 $0x7F, v30;
	v3 =	vld.idx.msk [tilespmem:v3+s7+$0x0], $0xffff  }
0x1a9: {  	v39 =	vand.u32 $0xFFFFFC00, v37;
	v41 =	vshll.u32 v33, $0x3;
	v42 =	vand.u32 $0x7F, v33;
	v53 =	vld [tilespmem:$0xA0];
	[tilespmem:$0x14E0] =	vst v11  }
0x1aa: {  	v4 =	vor.u32 $0x200, v4;
	v11 =	vor.u32 v39, v38;
	v15 =	vand.u32 $0xFFFFFC00, v41;
	v10 =	vld.idx.msk [tilespmem:v10+s7+$0x0], $0xffff;
	[tilespmem:$0x1560] =	vst v13  }
0x1ab: {  	v11 =	vor.u32 $0x280, v11;
	v13 =	vor.u32 v15, v42;
	v15 =	vand.u32 $0xFFFFFC00, v44;
	v12 =	vld.idx.msk [tilespmem:v12+s7+$0x0], $0xffff;
	[tilespmem:$0x15E0] =	vst v9  }
0x1ac: {  	v13 =	vor.u32 $0x300, v13;
	v9 =	vor.u32 v15, v45;
	v14 =	vld.idx.msk [tilespmem:v14+s7+$0x0], $0xffff  }
0x1ad: {  	v60 =	vld [tilespmem:$0xB0];
	v9 =	vor.u32 $0x380, v9  }
0x1ae: {  	v47 =	vshll.u32 v40, $0x3;
	v54 =	vshll.u32 v46, $0x3;
	[tilespmem:$0x2030] =	vst v3;
	v55 =	vand.u32 $0x7F, v46;
	v46 =	vld [tilespmem:$0xE0]  }
0x1af: {  	v48 =	vand.u32 $0x7F, v40;
	v51 =	vshll.u32 v43, $0x3;
	v49 =	vand.u32 $0xFFFFFC00, v47;
	v4 =	vld.idx.msk [tilespmem:v4+s7+$0x0], $0xffff;
	[tilespmem:$0x14F0] =	vst v10  }
0x1b0: {  	v52 =	vand.u32 $0x7F, v43;
	v10 =	vor.u32 v49, v48;
	v15 =	vand.u32 $0xFFFFFC00, v51;
	v11 =	vld.idx.msk [tilespmem:v11+s7+$0x0], $0xffff;
	[tilespmem:$0x1570] =	vst v12  }
0x1b1: {  	v10 =	vor.u32 $0x280, v10;
	v12 =	vor.u32 v15, v52;
	v15 =	vand.u32 $0xFFFFFC00, v54;
	v13 =	vld.idx.msk [tilespmem:v13+s7+$0x0], $0xffff;
	[tilespmem:$0x15F0] =	vst v14  }
0x1b2: {  	v12 =	vor.u32 $0x300, v12;
	v14 =	vor.u32 v15, v55;
	v9 =	vld.idx.msk [tilespmem:v9+s7+$0x0], $0xffff  }
0x1b3: {  	v3 =	vor.u32 $0x200, v1;
	v1 =	vld.idx.msk [tilespmem:v2+s7+$0x0], $0xffff;
	v14 =	vor.u32 $0x380, v14  }
0x1b4: {  	v20 =	vshll.u32 v56, $0x3;
	v57 =	vshll.u32 v50, $0x3;
	v21 =	vand.u32 $0x7F, v56;
	v56 =	vld [tilespmem:$0xF0]  }
0x1b5: {  	v58 =	vand.u32 $0x7F, v50;
	v59 =	vand.u32 $0xFFFFFC00, v57;
	v61 =	vshll.u32 v53, $0x3;
	v22 =	vld [tilespmem:$0xB0];
	[tilespmem:$0x1880] =	vst v11  }
0x1b6: {  	v62 =	vand.u32 $0x7F, v53;
	v11 =	vor.u32 v59, v58;
	v15 =	vand.u32 $0xFFFFFC00, v61;
	v10 =	vld.idx.msk [tilespmem:v10+s7+$0x0], $0xffff;
	[tilespmem:$0x1900] =	vst v13  }
0x1b7: {  	v11 =	vor.u32 $0x280, v11;
	v13 =	vor.u32 v15, v62;
	v15 =	vand.u32 $0xFFFFFC00, v20;
	v12 =	vld.idx.msk [tilespmem:v12+s7+$0x0], $0xffff;
	[tilespmem:$0x1980] =	vst v9  }
0x1b8: {  	v13 =	vor.u32 $0x300, v13;
	v9 =	vor.u32 v15, v21;
	v14 =	vld.idx.msk [tilespmem:v14+s7+$0x0], $0xffff  }
0x1b9: {  	[tilespmem:$0x2040] =	vst v4;
	v4 =	vld [tilespmem:$0x1E0];
	v9 =	vor.u32 $0x380, v9  }
0x1ba: {  	v27 =	vshll.u32 v63, $0x3;
	v23 =	vshll.u32 v60, $0x3;
	v24 =	vand.u32 $0x7F, v60;
	v29 =	vld [tilespmem:$0xC0]  }
0x1bb: {  	v25 =	vand.u32 $0xFFFFFC00, v23;
	v28 =	vand.u32 $0x7F, v63;
	v30 =	vshll.u32 v22, $0x3;
	v32 =	vld [tilespmem:$0xC0];
	[tilespmem:$0x1890] =	vst v10  }
0x1bc: {  	v31 =	vand.u32 $0x7F, v22;
	v10 =	vor.u32 v25, v24;
	v15 =	vand.u32 $0xFFFFFC00, v27;
	v11 =	vld.idx.msk [tilespmem:v11+s7+$0x0], $0xffff;
	[tilespmem:$0x1910] =	vst v12  }
0x1bd: {  	v10 =	vor.u32 $0x280, v10;
	v12 =	vor.u32 v15, v28;
	v15 =	vand.u32 $0xFFFFFC00, v30;
	v13 =	vld.idx.msk [tilespmem:v13+s7+$0x0], $0xffff;
	[tilespmem:$0x1990] =	vst v14  }
0x1be: {  	v12 =	vor.u32 $0x300, v12;
	v14 =	vor.u32 v15, v31;
	v9 =	vld.idx.msk [tilespmem:v9+s7+$0x0], $0xffff  }
0x1bf: {  	v2 =	vld.idx.msk [tilespmem:v3+s7+$0x0], $0xffff;
	v14 =	vor.u32 $0x380, v14  }
0x1c0: {  	v33 =	vshll.u32 v26, $0x3;
	v34 =	vand.u32 $0x7F, v26;
	v37 =	vshll.u32 v29, $0x3;
	v39 =	vld [tilespmem:$0xD0]  }
0x1c1: {  	v35 =	vand.u32 $0xFFFFFC00, v33;
	v38 =	vand.u32 $0x7F, v29;
	v40 =	vshll.u32 v32, $0x3;
	v42 =	vld [tilespmem:$0xD0];
	[tilespmem:$0x18A0] =	vst v11  }
0x1c2: {  	v41 =	vand.u32 $0x7F, v32;
	v11 =	vor.u32 v35, v34;
	v15 =	vand.u32 $0xFFFFFC00, v37;
	v10 =	vld.idx.msk [tilespmem:v10+s7+$0x0], $0xffff;
	[tilespmem:$0x1920] =	vst v13  }
0x1c3: {  	v11 =	vor.u32 $0x280, v11;
	v13 =	vor.u32 v15, v38;
	v15 =	vand.u32 $0xFFFFFC00, v40;
	v12 =	vld.idx.msk [tilespmem:v12+s7+$0x0], $0xffff;
	[tilespmem:$0x19A0] =	vst v9  }
0x1c4: {  	v13 =	vor.u32 $0x300, v13;
	v9 =	vor.u32 v15, v41;
	v14 =	vld.idx.msk [tilespmem:v14+s7+$0x0], $0xffff  }
0x1c5: {  	v23 =	vld [tilespmem:$0x100];
	v9 =	vor.u32 $0x380, v9  }
0x1c6: {  	v43 =	vshll.u32 v36, $0x3;
	v44 =	vand.u32 $0x7F, v36;
	v47 =	vshll.u32 v39, $0x3;
	v49 =	vld [tilespmem:$0xE0]  }
0x1c7: {  	v45 =	vand.u32 $0xFFFFFC00, v43;
	v48 =	vand.u32 $0x7F, v39;
	v50 =	vshll.u32 v42, $0x3;
	v52 =	vld [tilespmem:$0xE0];
	[tilespmem:$0x18B0] =	vst v10  }
0x1c8: {  	v51 =	vand.u32 $0x7F, v42;
	v10 =	vor.u32 v45, v44;
	v15 =	vand.u32 $0xFFFFFC00, v47;
	v11 =	vld.idx.msk [tilespmem:v11+s7+$0x0], $0xffff;
	[tilespmem:$0x1930] =	vst v12  }
0x1c9: {  	v10 =	vor.u32 $0x280, v10;
	v12 =	vor.u32 v15, v48;
	v15 =	vand.u32 $0xFFFFFC00, v50;
	v13 =	vld.idx.msk [tilespmem:v13+s7+$0x0], $0xffff;
	[tilespmem:$0x19B0] =	vst v14  }
0x1ca: {  	v63 =	vshll.u32 v56, $0x3;
	v12 =	vor.u32 $0x300, v12;
	v14 =	vor.u32 v15, v51;
	v9 =	vld.idx.msk [tilespmem:v9+s7+$0x0], $0xffff  }
0x1cb: {  	v22 =	vand.u32 $0xFFFFFC00, v63;
	v63 =	vld [tilespmem:$0x140];
	v14 =	vor.u32 $0x380, v14  }
0x1cc: {  	v53 =	vshll.u32 v46, $0x3;
	v54 =	vand.u32 $0x7F, v46;
	v57 =	vshll.u32 v49, $0x3;
	v59 =	vld [tilespmem:$0xF0]  }
0x1cd: {  	v55 =	vand.u32 $0xFFFFFC00, v53;
	v58 =	vand.u32 $0x7F, v49;
	v60 =	vshll.u32 v52, $0x3;
	v62 =	vld [tilespmem:$0xF0];
	[tilespmem:$0x18C0] =	vst v11  }
0x1ce: {  	v61 =	vand.u32 $0x7F, v52;
	v11 =	vor.u32 v55, v54;
	v15 =	vand.u32 $0xFFFFFC00, v57;
	v10 =	vld.idx.msk [tilespmem:v10+s7+$0x0], $0xffff;
	[tilespmem:$0x1940] =	vst v13  }
0x1cf: {  	v11 =	vor.u32 $0x280, v11;
	v13 =	vor.u32 v15, v58;
	v15 =	vand.u32 $0xFFFFFC00, v60;
	v12 =	vld.idx.msk [tilespmem:v12+s7+$0x0], $0xffff;
	[tilespmem:$0x19C0] =	vst v9  }
0x1d0: {  	v13 =	vor.u32 $0x300, v13;
	v9 =	vor.u32 v15, v61;
	v14 =	vld.idx.msk [tilespmem:v14+s7+$0x0], $0xffff  }
0x1d1: {  	v26 =	vld [tilespmem:$0x100];
	v9 =	vor.u32 $0x380, v9  }
0x1d2: {  	v29 =	vld [tilespmem:$0x100];
	v21 =	vand.u32 $0x7F, v56  }
0x1d3: {  	v33 =	vld [tilespmem:$0x110];
	v24 =	vshll.u32 v59, $0x3;
	v25 =	vand.u32 $0x7F, v59;
	v27 =	vshll.u32 v62, $0x3;
	[tilespmem:$0x18D0] =	vst v10  }
0x1d4: {  	v28 =	vand.u32 $0x7F, v62;
	v10 =	vor.u32 v22, v21;
	v15 =	vand.u32 $0xFFFFFC00, v24;
	v11 =	vld.idx.msk [tilespmem:v11+s7+$0x0], $0xffff;
	[tilespmem:$0x1950] =	vst v12  }
0x1d5: {  	v10 =	vor.u32 $0x280, v10;
	v12 =	vor.u32 v15, v25;
	v15 =	vand.u32 $0xFFFFFC00, v27;
	v13 =	vld.idx.msk [tilespmem:v13+s7+$0x0], $0xffff;
	[tilespmem:$0x19D0] =	vst v14  }
0x1d6: {  	v12 =	vor.u32 $0x300, v12;
	v14 =	vor.u32 v15, v28;
	v9 =	vld.idx.msk [tilespmem:v9+s7+$0x0], $0xffff  }
0x1d7: {  	v36 =	vld [tilespmem:$0x110];
	v30 =	vshll.u32 v23, $0x3;
	v14 =	vor.u32 $0x380, v14  }
0x1d8: {  	v39 =	vld [tilespmem:$0x110];
	v31 =	vand.u32 $0x7F, v23;
	v32 =	vand.u32 $0xFFFFFC00, v30  }
0x1d9: {  	v43 =	vld [tilespmem:$0x120];
	v34 =	vshll.u32 v26, $0x3;
	v35 =	vand.u32 $0x7F, v26;
	v37 =	vshll.u32 v29, $0x3;
	[tilespmem:$0x18E0] =	vst v11  }
0x1da: {  	v38 =	vand.u32 $0x7F, v29;
	v11 =	vor.u32 v32, v31;
	v15 =	vand.u32 $0xFFFFFC00, v34;
	v10 =	vld.idx.msk [tilespmem:v10+s7+$0x0], $0xffff;
	[tilespmem:$0x1960] =	vst v13  }
0x1db: {  	v11 =	vor.u32 $0x280, v11;
	v13 =	vor.u32 v15, v35;
	v15 =	vand.u32 $0xFFFFFC00, v37;
	v12 =	vld.idx.msk [tilespmem:v12+s7+$0x0], $0xffff;
	[tilespmem:$0x19E0] =	vst v9  }
0x1dc: {  	v13 =	vor.u32 $0x300, v13;
	v9 =	vor.u32 v15, v38;
	v14 =	vld.idx.msk [tilespmem:v14+s7+$0x0], $0xffff  }
0x1dd: {  	v46 =	vld [tilespmem:$0x120];
	v40 =	vshll.u32 v33, $0x3;
	v9 =	vor.u32 $0x380, v9  }
0x1de: {  	v49 =	vld [tilespmem:$0x120];
	v41 =	vand.u32 $0x7F, v33;
	v42 =	vand.u32 $0xFFFFFC00, v40  }
0x1df: {  	v53 =	vld [tilespmem:$0x130];
	v44 =	vshll.u32 v36, $0x3;
	v45 =	vand.u32 $0x7F, v36;
	v47 =	vshll.u32 v39, $0x3;
	[tilespmem:$0x18F0] =	vst v10  }
0x1e0: {  	v48 =	vand.u32 $0x7F, v39;
	v10 =	vor.u32 v42, v41;
	v15 =	vand.u32 $0xFFFFFC00, v44;
	v11 =	vld.idx.msk [tilespmem:v11+s7+$0x0], $0xffff;
	[tilespmem:$0x1970] =	vst v12  }
0x1e1: {  	v10 =	vor.u32 $0x280, v10;
	v12 =	vor.u32 v15, v45;
	v15 =	vand.u32 $0xFFFFFC00, v47;
	v13 =	vld.idx.msk [tilespmem:v13+s7+$0x0], $0xffff;
	[tilespmem:$0x19F0] =	vst v14  }
0x1e2: {  	v12 =	vor.u32 $0x300, v12;
	v14 =	vor.u32 v15, v48;
	v9 =	vld.idx.msk [tilespmem:v9+s7+$0x0], $0xffff  }
0x1e3: {  	v56 =	vld [tilespmem:$0x130];
	v50 =	vshll.u32 v43, $0x3;
	v14 =	vor.u32 $0x380, v14  }
0x1e4: {  	v59 =	vld [tilespmem:$0x130];
	v51 =	vand.u32 $0x7F, v43;
	v52 =	vand.u32 $0xFFFFFC00, v50  }
0x1e5: {  	v29 =	vld [tilespmem:$0x150];
	v54 =	vshll.u32 v46, $0x3;
	v55 =	vand.u32 $0x7F, v46;
	v57 =	vshll.u32 v49, $0x3;
	[tilespmem:$0x1C80] =	vst v11  }
0x1e6: {  	v58 =	vand.u32 $0x7F, v49;
	v11 =	vor.u32 v52, v51;
	v15 =	vand.u32 $0xFFFFFC00, v54;
	v10 =	vld.idx.msk [tilespmem:v10+s7+$0x0], $0xffff;
	[tilespmem:$0x1D00] =	vst v13  }
0x1e7: {  	v11 =	vor.u32 $0x280, v11;
	v13 =	vor.u32 v15, v55;
	v15 =	vand.u32 $0xFFFFFC00, v57;
	v12 =	vld.idx.msk [tilespmem:v12+s7+$0x0], $0xffff;
	[tilespmem:$0x1D80] =	vst v9  }
0x1e8: {  	v13 =	vor.u32 $0x300, v13;
	v9 =	vor.u32 v15, v58;
	v14 =	vld.idx.msk [tilespmem:v14+s7+$0x0], $0xffff  }
0x1e9: {  	v20 =	vshll.u32 v56, $0x3;
	v23 =	vshll.u32 v59, $0x3;
	v39 =	vld [tilespmem:$0x160];
	v9 =	vor.u32 $0x380, v9  }
0x1ea: {  	v50 =	vand.u32 $0x7F, v8;
	v8 =	vshll.u32 v8, $0x3;
	v60 =	vshll.u32 v53, $0x3;
	v22 =	vld [tilespmem:$0x140]  }
0x1eb: {  	v61 =	vand.u32 $0x7F, v53;
	v62 =	vand.u32 $0xFFFFFC00, v60;
	v21 =	vand.u32 $0x7F, v56;
	v25 =	vld [tilespmem:$0x140];
	[tilespmem:$0x1C90] =	vst v10  }
0x1ec: {  	v24 =	vand.u32 $0x7F, v59;
	v10 =	vor.u32 v62, v61;
	v15 =	vand.u32 $0xFFFFFC00, v20;
	v11 =	vld.idx.msk [tilespmem:v11+s7+$0x0], $0xffff;
	[tilespmem:$0x1D10] =	vst v12  }
0x1ed: {  	v10 =	vor.u32 $0x280, v10;
	v12 =	vor.u32 v15, v21;
	v15 =	vand.u32 $0xFFFFFC00, v23;
	v13 =	vld.idx.msk [tilespmem:v13+s7+$0x0], $0xffff;
	[tilespmem:$0x1D90] =	vst v14  }
0x1ee: {  	v8 =	vand.u32 $0xFFFFFC00, v8;
	v12 =	vor.u32 $0x300, v12;
	v14 =	vor.u32 v15, v24;
	v9 =	vld.idx.msk [tilespmem:v9+s7+$0x0], $0xffff  }
0x1ef: {  	v8 =	vor.u32 v8, v50;
	v50 =	vld [tilespmem:$0x1B0];
	v14 =	vor.u32 $0x380, v14  }
0x1f0: {  	v26 =	vshll.u32 v63, $0x3;
	v27 =	vand.u32 $0x7F, v63;
	v30 =	vshll.u32 v22, $0x3;
	v32 =	vld [tilespmem:$0x150]  }
0x1f1: {  	v28 =	vand.u32 $0xFFFFFC00, v26;
	v31 =	vand.u32 $0x7F, v22;
	v33 =	vshll.u32 v25, $0x3;
	v35 =	vld [tilespmem:$0x150];
	[tilespmem:$0x1CA0] =	vst v11  }
0x1f2: {  	v34 =	vand.u32 $0x7F, v25;
	v11 =	vor.u32 v28, v27;
	v15 =	vand.u32 $0xFFFFFC00, v30;
	v10 =	vld.idx.msk [tilespmem:v10+s7+$0x0], $0xffff;
	[tilespmem:$0x1D20] =	vst v13  }
0x1f3: {  	v11 =	vor.u32 $0x280, v11;
	v13 =	vor.u32 v15, v31;
	v15 =	vand.u32 $0xFFFFFC00, v33;
	v12 =	vld.idx.msk [tilespmem:v12+s7+$0x0], $0xffff;
	[tilespmem:$0x1DA0] =	vst v9  }
0x1f4: {  	v13 =	vor.u32 $0x300, v13;
	v9 =	vor.u32 v15, v34;
	v14 =	vld.idx.msk [tilespmem:v14+s7+$0x0], $0xffff  }
0x1f5: {  	v49 =	vld [tilespmem:$0x170];
	v9 =	vor.u32 $0x380, v9  }
0x1f6: {  	v36 =	vshll.u32 v29, $0x3;
	v37 =	vand.u32 $0x7F, v29;
	v40 =	vshll.u32 v32, $0x3;
	v42 =	vld [tilespmem:$0x160]  }
0x1f7: {  	v38 =	vand.u32 $0xFFFFFC00, v36;
	v41 =	vand.u32 $0x7F, v32;
	v43 =	vshll.u32 v35, $0x3;
	v45 =	vld [tilespmem:$0x160];
	[tilespmem:$0x1CB0] =	vst v10  }
0x1f8: {  	v44 =	vand.u32 $0x7F, v35;
	v10 =	vor.u32 v38, v37;
	v15 =	vand.u32 $0xFFFFFC00, v40;
	v11 =	vld.idx.msk [tilespmem:v11+s7+$0x0], $0xffff;
	[tilespmem:$0x1D30] =	vst v12  }
0x1f9: {  	v10 =	vor.u32 $0x280, v10;
	v12 =	vor.u32 v15, v41;
	v15 =	vand.u32 $0xFFFFFC00, v43;
	v13 =	vld.idx.msk [tilespmem:v13+s7+$0x0], $0xffff;
	[tilespmem:$0x1DB0] =	vst v14  }
0x1fa: {  	v12 =	vor.u32 $0x300, v12;
	v14 =	vor.u32 v15, v44;
	v9 =	vld.idx.msk [tilespmem:v9+s7+$0x0], $0xffff  }
0x1fb: {  	v46 =	vshll.u32 v39, $0x3;
	v53 =	vld [tilespmem:$0x170];
	v14 =	vor.u32 $0x380, v14  }
0x1fc: {  	v56 =	vld [tilespmem:$0x170];
	v47 =	vand.u32 $0x7F, v39;
	v48 =	vand.u32 $0xFFFFFC00, v46  }
0x1fd: {  	v59 =	vld [tilespmem:$0x180];
	v51 =	vshll.u32 v42, $0x3;
	v52 =	vand.u32 $0x7F, v42;
	v54 =	vshll.u32 v45, $0x3;
	[tilespmem:$0x1CC0] =	vst v11  }
0x1fe: {  	v55 =	vand.u32 $0x7F, v45;
	v11 =	vor.u32 v48, v47;
	v15 =	vand.u32 $0xFFFFFC00, v51;
	v10 =	vld.idx.msk [tilespmem:v10+s7+$0x0], $0xffff;
	[tilespmem:$0x1D40] =	vst v13  }
0x1ff: {  	v11 =	vor.u32 $0x280, v11;
	v13 =	vor.u32 v15, v52;
	v15 =	vand.u32 $0xFFFFFC00, v54;
	v12 =	vld.idx.msk [tilespmem:v12+s7+$0x0], $0xffff;
	[tilespmem:$0x1DC0] =	vst v9  }
0x200: {  	v13 =	vor.u32 $0x300, v13;
	v9 =	vor.u32 v15, v55;
	v14 =	vld.idx.msk [tilespmem:v14+s7+$0x0], $0xffff  }
0x201: {  	v60 =	vshll.u32 v53, $0x3;
	v63 =	vand.u32 $0x7F, v7;
	v26 =	vld [tilespmem:$0x190];
	v9 =	vor.u32 $0x380, v9  }
0x202: {  	v7 =	vshll.u32 v7, $0x3;
	v22 =	vand.u32 $0x7F, v56;
	v57 =	vshll.u32 v49, $0x3;
	v62 =	vld [tilespmem:$0x180]  }
0x203: {  	v58 =	vand.u32 $0x7F, v49;
	v61 =	vand.u32 $0x7F, v53;
	v23 =	vld [tilespmem:$0x180];
	[tilespmem:$0x1CD0] =	vst v10;
	v15 =	vand.u32 $0xFFFFFC00, v57  }
0x204: {  	v21 =	vshll.u32 v56, $0x3;
	v11 =	vld.idx.msk [tilespmem:v11+s7+$0x0], $0xffff;
	v10 =	vor.u32 v15, v58;
	v15 =	vand.u32 $0xFFFFFC00, v60;
	[tilespmem:$0x1D50] =	vst v12  }
0x205: {  	v10 =	vor.u32 $0x280, v10;
	v12 =	vor.u32 v15, v61;
	v15 =	vand.u32 $0xFFFFFC00, v21;
	v13 =	vld.idx.msk [tilespmem:v13+s7+$0x0], $0xffff;
	[tilespmem:$0x1DD0] =	vst v14  }
0x206: {  	v7 =	vand.u32 $0xFFFFFC00, v7;
	v12 =	vor.u32 $0x300, v12;
	v14 =	vor.u32 v15, v22;
	v9 =	vld.idx.msk [tilespmem:v9+s7+$0x0], $0xffff  }
0x207: {  	v8 =	vor.u32 $0x100, v8;
	v7 =	vor.u32 v7, v63;
	v29 =	vld [tilespmem:$0x190];
	v14 =	vor.u32 $0x380, v14  }
0x208: {  	v25 =	vand.u32 $0x7F, v59;
	v39 =	vld [tilespmem:$0x1A0];
	v24 =	vshll.u32 v59, $0x3;
	v27 =	vshll.u32 v62, $0x3  }
0x209: {  	v32 =	vld [tilespmem:$0x190];
	v28 =	vand.u32 $0x7F, v62;
	v30 =	vshll.u32 v23, $0x3;
	[tilespmem:$0x1CE0] =	vst v11;
	v15 =	vand.u32 $0xFFFFFC00, v24  }
0x20a: {  	v31 =	vand.u32 $0x7F, v23;
	v10 =	vld.idx.msk [tilespmem:v10+s7+$0x0], $0xffff;
	v11 =	vor.u32 v15, v25;
	v15 =	vand.u32 $0xFFFFFC00, v27;
	[tilespmem:$0x1D60] =	vst v13  }
0x20b: {  	v11 =	vor.u32 $0x280, v11;
	v13 =	vor.u32 v15, v28;
	v15 =	vand.u32 $0xFFFFFC00, v30;
	v12 =	vld.idx.msk [tilespmem:v12+s7+$0x0], $0xffff;
	[tilespmem:$0x1DE0] =	vst v9  }
0x20c: {  	v35 =	vand.u32 $0x7F, v26;
	v13 =	vor.u32 $0x300, v13;
	v9 =	vor.u32 v15, v31;
	v14 =	vld.idx.msk [tilespmem:v14+s7+$0x0], $0xffff  }
0x20d: {  	v36 =	vld [tilespmem:$0x1A0];
	v49 =	vand.u32 $0x7F, v39;
	v33 =	vand.u32 $0x7F, v6;
	v9 =	vor.u32 $0x380, v9  }
0x20e: {  	v53 =	vld [tilespmem:$0x1B0];
	v6 =	vshll.u32 v6, $0x3;
	v34 =	vshll.u32 v26, $0x3;
	v37 =	vshll.u32 v29, $0x3  }
0x20f: {  	v42 =	vld [tilespmem:$0x1A0];
	v38 =	vand.u32 $0x7F, v29;
	v40 =	vshll.u32 v32, $0x3;
	[tilespmem:$0x1CF0] =	vst v10;
	v15 =	vand.u32 $0xFFFFFC00, v34  }
0x210: {  	v41 =	vand.u32 $0x7F, v32;
	v11 =	vld.idx.msk [tilespmem:v11+s7+$0x0], $0xffff;
	v10 =	vor.u32 v15, v35;
	v15 =	vand.u32 $0xFFFFFC00, v37;
	[tilespmem:$0x1D70] =	vst v12  }
0x211: {  	v10 =	vor.u32 $0x280, v10;
	v12 =	vor.u32 v15, v38;
	v15 =	vand.u32 $0xFFFFFC00, v40;
	v13 =	vld.idx.msk [tilespmem:v13+s7+$0x0], $0xffff;
	[tilespmem:$0x1DF0] =	vst v14  }
0x212: {  	v6 =	vand.u32 $0xFFFFFC00, v6;
	v12 =	vor.u32 $0x300, v12;
	v14 =	vor.u32 v15, v41;
	v9 =	vld.idx.msk [tilespmem:v9+s7+$0x0], $0xffff  }
0x213: {  	v62 =	vand.u32 $0x7F, v53;
	v23 =	vld [tilespmem:$0x1D0];
	v6 =	vor.u32 v6, v33;
	v14 =	vor.u32 $0x380, v14  }
0x214: {  	v63 =	vld [tilespmem:$0x1C0];
	v6 =	vor.u32 $0x180, v6;
	v43 =	vshll.u32 v36, $0x3;
	v44 =	vand.u32 $0x7F, v36  }
0x215: {  	v46 =	vld [tilespmem:$0x1B0];
	v45 =	vand.u32 $0xFFFFFC00, v43;
	v48 =	vshll.u32 v39, $0x3;
	v51 =	vshll.u32 v42, $0x3;
	[tilespmem:$0x2080] =	vst v11  }
0x216: {  	v52 =	vand.u32 $0x7F, v42;
	v11 =	vor.u32 v45, v44;
	v15 =	vand.u32 $0xFFFFFC00, v48;
	v10 =	vld.idx.msk [tilespmem:v10+s7+$0x0], $0xffff;
	[tilespmem:$0x2100] =	vst v13  }
0x217: {  	v11 =	vor.u32 $0x280, v11;
	v13 =	vor.u32 v15, v49;
	v15 =	vand.u32 $0xFFFFFC00, v51;
	v12 =	vld.idx.msk [tilespmem:v12+s7+$0x0], $0xffff;
	[tilespmem:$0x2180] =	vst v9  }
0x218: {  	v32 =	vand.u32 $0x7F, v23;
	v13 =	vor.u32 $0x300, v13;
	v9 =	vor.u32 v15, v52;
	v14 =	vld.idx.msk [tilespmem:v14+s7+$0x0], $0xffff  }
0x219: {  	v56 =	vld [tilespmem:$0x1C0];
	v47 =	vand.u32 $0x7F, v5;
	v5 =	vshll.u32 v5, $0x3;
	v9 =	vor.u32 $0x380, v9  }
0x21a: {  	v36 =	vld [tilespmem:$0x1E0];
	v5 =	vand.u32 $0xFFFFFC00, v5;
	v54 =	vshll.u32 v46, $0x3;
	v55 =	vand.u32 $0x7F, v46  }
0x21b: {  	v59 =	vld [tilespmem:$0x1C0];
	v57 =	vshll.u32 v50, $0x3;
	v58 =	vand.u32 $0x7F, v50;
	[tilespmem:$0x2090] =	vst v10;
	v15 =	vand.u32 $0xFFFFFC00, v54  }
0x21c: {  	v61 =	vshll.u32 v53, $0x3;
	v11 =	vld.idx.msk [tilespmem:v11+s7+$0x0], $0xffff;
	v10 =	vor.u32 v15, v55;
	v15 =	vand.u32 $0xFFFFFC00, v57;
	[tilespmem:$0x2110] =	vst v12  }
0x21d: {  	v10 =	vor.u32 $0x280, v10;
	v12 =	vor.u32 v15, v58;
	v15 =	vand.u32 $0xFFFFFC00, v61;
	v13 =	vld.idx.msk [tilespmem:v13+s7+$0x0], $0xffff;
	[tilespmem:$0x2190] =	vst v14  }
0x21e: {  	v5 =	vor.u32 v5, v47;
	v12 =	vor.u32 $0x300, v12;
	v14 =	vor.u32 v15, v62;
	v9 =	vld.idx.msk [tilespmem:v9+s7+$0x0], $0xffff  }
0x21f: {  	v39 =	vld [tilespmem:$0x1E0];
	v5 =	vor.u32 $0x180, v5;
	v43 =	vshll.u32 v36, $0x3;
	v14 =	vor.u32 $0x380, v14  }
0x220: {  	v26 =	vld [tilespmem:$0x1D0];
	v21 =	vshll.u32 v56, $0x3;
	v22 =	vand.u32 $0x7F, v56;
	v24 =	vshll.u32 v59, $0x3  }
0x221: {  	v29 =	vld [tilespmem:$0x1D0];
	v25 =	vand.u32 $0x7F, v59;
	v27 =	vshll.u32 v63, $0x3;
	[tilespmem:$0x20A0] =	vst v11;
	v15 =	vand.u32 $0xFFFFFC00, v21  }
0x222: {  	v28 =	vand.u32 $0x7F, v63;
	v10 =	vld.idx.msk [tilespmem:v10+s7+$0x0], $0xffff;
	v11 =	vor.u32 v15, v22;
	v15 =	vand.u32 $0xFFFFFC00, v24;
	[tilespmem:$0x2120] =	vst v13  }
0x223: {  	v11 =	vor.u32 $0x280, v11;
	v13 =	vor.u32 v15, v25;
	v15 =	vand.u32 $0xFFFFFC00, v27;
	v12 =	vld.idx.msk [tilespmem:v12+s7+$0x0], $0xffff;
	[tilespmem:$0x21A0] =	vst v9  }
0x224: {  	v47 =	vand.u32 $0x7F, v39;
	v13 =	vor.u32 $0x300, v13;
	v9 =	vor.u32 v15, v28;
	v14 =	vld.idx.msk [tilespmem:v14+s7+$0x0], $0xffff  }
0x225: {  	v3 =	vld [tilespmem:$0x1F0];
	v60 =	vand.u32 $0x7F, v4;
	v4 =	vshll.u32 v4, $0x3;
	v9 =	vor.u32 $0x380, v9  }
0x226: {  	v33 =	vld [tilespmem:$0x1E0];
	v4 =	vand.u32 $0xFFFFFC00, v4;
	v31 =	vshll.u32 v23, $0x3;
	v34 =	vshll.u32 v26, $0x3  }
0x227: {  	v42 =	vld [tilespmem:$0x1F0];
	v35 =	vand.u32 $0x7F, v26;
	v37 =	vshll.u32 v29, $0x3;
	[tilespmem:$0x20B0] =	vst v10;
	v15 =	vand.u32 $0xFFFFFC00, v31  }
0x228: {  	v38 =	vand.u32 $0x7F, v29;
	v11 =	vld.idx.msk [tilespmem:v11+s7+$0x0], $0xffff;
	v10 =	vor.u32 v15, v32;
	v15 =	vand.u32 $0xFFFFFC00, v34;
	[tilespmem:$0x2130] =	vst v12  }
0x229: {  	v10 =	vor.u32 $0x280, v10;
	v12 =	vor.u32 v15, v35;
	v15 =	vand.u32 $0xFFFFFC00, v37;
	v13 =	vld.idx.msk [tilespmem:v13+s7+$0x0], $0xffff;
	[tilespmem:$0x21B0] =	vst v14  }
0x22a: {  	v4 =	vor.u32 v4, v60;
	v12 =	vor.u32 $0x300, v12;
	v14 =	vor.u32 v15, v38;
	v9 =	vld.idx.msk [tilespmem:v9+s7+$0x0], $0xffff  }
0x22b: {  	v46 =	vshll.u32 v39, $0x3;
	v4 =	vor.u32 $0x200, v4;
	v14 =	vor.u32 $0x380, v14  }
0x22c: {  	v50 =	vshll.u32 v42, $0x3;
	v30 =	vand.u32 $0x7F, v3;
	v40 =	vshll.u32 v33, $0x3;
	v45 =	vld [tilespmem:$0x1F0]  }
0x22d: {  	v3 =	vshll.u32 v3, $0x3;
	v41 =	vand.u32 $0x7F, v33;
	v48 =	vld [tilespmem:$0x1F0];
	[tilespmem:$0x20C0] =	vst v11;
	v15 =	vand.u32 $0xFFFFFC00, v40  }
0x22e: {  	v44 =	vand.u32 $0x7F, v36;
	v10 =	vld.idx.msk [tilespmem:v10+s7+$0x0], $0xffff;
	v11 =	vor.u32 v15, v41;
	v15 =	vand.u32 $0xFFFFFC00, v43;
	[tilespmem:$0x2140] =	vst v13  }
0x22f: {  	v11 =	vor.u32 $0x280, v11;
	v13 =	vor.u32 v15, v44;
	v15 =	vand.u32 $0xFFFFFC00, v46;
	v12 =	vld.idx.msk [tilespmem:v12+s7+$0x0], $0xffff;
	[tilespmem:$0x21C0] =	vst v9  }
0x230: {  	[tilespmem:$0x2050] =	vst v2;
	v3 =	vand.u32 $0xFFFFFC00, v3;
	v49 =	vor.u32 v15, v47;
	v13 =	vor.u32 $0x300, v13;
	v14 =	vld.idx.msk [tilespmem:v14+s7+$0x0], $0xffff  }
0x231: {  	[tilespmem:$0x1F50] =	vst v0;
	v53 =	vor.u32 $0x100, v7;
	v4 =	vld.idx.msk [tilespmem:v4+s7+$0x0], $0xffff;
	v3 =	vor.u32 v3, v30;
	v0 =	vor.u32 $0x380, v49  }
0x232: {  	[tilespmem:$0x1FD0] =	vst v1;
	v3 =	vor.u32 $0x200, v3;
	v51 =	vld.idx.msk [tilespmem:v8+s7+$0x0], $0xffff;
	v56 =	vand.u32 $0x7F, v45;
	v59 =	vand.u32 $0x7F, v48  }
0x233: {  	v6 =	vld.idx.msk [tilespmem:v6+s7+$0x0], $0xffff;
	v52 =	vand.u32 $0x7F, v42;
	v55 =	vshll.u32 v45, $0x3;
	v9 =	vand.u32 $0xFFFFFC00, v50;
	[tilespmem:$0x20D0] =	vst v10  }
0x234: {  	v57 =	vshll.u32 v48, $0x3;
	v8 =	vand.u32 $0xFFFFFC00, v55;
	v54 =	vor.u32 v9, v52;
	v10 =	vld.idx.msk [tilespmem:v11+s7+$0x0], $0xffff;
	[tilespmem:$0x2150] =	vst v12  }
0x235: {  	v8 =	vor.u32 v8, v56;
	v9 =	vand.u32 $0xFFFFFC00, v57;
	v7 =	vor.u32 $0x280, v54;
	[tilespmem:$0x21D0] =	vst v14;
	v58 =	vld.idx.msk [tilespmem:v13+s7+$0x0], $0xffff  }
0x236: {  	[tilespmem:$0x2060] =	vst v4;
	v8 =	vor.u32 $0x300, v8;
	v60 =	vor.u32 v9, v59;
	v0 =	vld.idx.msk [tilespmem:v0+s7+$0x0], $0xffff  }
0x237: {  	v3 =	vld.idx.msk [tilespmem:v3+s7+$0x0], $0xffff;
	[tilespmem:$0x1F60] =	vst v51;
	v1 =	vor.u32 $0x380, v60  }
0x238: {  	[tilespmem:$0x1FE0] =	vst v6;
	v2 =	vld.idx.msk [tilespmem:v53+s7+$0x0], $0xffff  }
0x239: {  	v61 =	vld.idx.msk [tilespmem:v5+s7+$0x0], $0xffff;
	[tilespmem:$0x20E0] =	vst v10  }
0x23a: {  	v62 =	vld.idx.msk [tilespmem:v7+s7+$0x0], $0xffff;
	[tilespmem:$0x2160] =	vst v58  }
0x23b: {  	[tilespmem:$0x21E0] =	vst v0;
	v63 =	vld.idx.msk [tilespmem:v8+s7+$0x0], $0xffff  }
0x23c: {  	[tilespmem:$0x2070] =	vst v3;
	v1 =	vld.idx.msk [tilespmem:v1+s7+$0x0], $0xffff  }
0x23d: {  	[tilespmem:$0x1F70] =	vst v2  }
0x23e: {  	[tilespmem:$0x1FF0] =	vst v61  }
0x23f: {  	[tilespmem:$0x20F0] =	vst v62  }
0x240: {  	p0 =	sne.s32 s6, $0x1;
	[tilespmem:$0x2170] =	vst v63  }
.Ltmp0:
0x241: {  	[tilespmem:$0x21F0] =	vst v1;
	(pc) =	sbr.rel @p0 .LBB2_1-.Ltmp0, $4  }
0x242: {  	[hbm4b:s5+s2] =	stream.linear.scatter [tilespmem:s10], [sflag:$0x3], $0x1000, $0x38;
	[tilespmem:$0x2200] =	vst v63  }
0x243: {  	_ =	swait.ge [sflag:s11], $0x1000  }
0x244: {  	[sflag:s11] =	ssyncset.done $0x0  }
0x245: {  	s6 =	sadd.s32 $0xFFFFFFFF, s6;
	[sflag:s11] =	ssyncadd.s32 $0xFFFFF000  }
0x246: {  	_ =	sfence.sel $0x180000  }
0x247: {  	[bflag:$0x0] =	sbarrier.arrive $0xFFFF  }
0x248: {  	p0 =	sne.s32 s1, $0x0;
	_ =	strace $0x90000047  }
0x249: {  	s0 =	sadd.s32 @!p0 $0x100000, s0;
	[bflag:$0x2] =	sbarrier.arrive $0xFFFF  }
0x24a: {  	[sflag:s0] =	ssyncadd.tile.s32 @!p0 $0x1;
	_ =	shalt  }
.Lfunc_end2:
_tile_overlayer_lowered:
.L_overlay_start_2:
0x24b: {  	(tag) =	ssettag $0x2  }
0x24c: {  	s0 =	rddreg [dreg:$0x0];
	s2 =	stileid.u32  }
0x24d: {  	s1 =	rddreg [dreg:$0x1];
	p0 =	sne.s32 s2, $0x0  }
0x24e: {  	s3 =	rddreg [dreg:$0x2];
	[bflag:$0x3] =	sbarrier.arrive $0xFFFF;
	s2 =	simm.s32 @!p0 $0x1C03  }
0x24f: {  	[timem:s3], [sflag:s2] =	dma.local @!p0 [hbm:s0], s1  }
0x250: {  	s0 =	simm.s32 @!p0 $0x3  }
0x251: {  	_ =	swait.ge @!p0 [sflag:s0], s1  }
0x252: {  	s1 =	ssub.s32 @!p0 $0x0, s1;
	[sflag:s0] =	ssyncset.done @!p0 $0x0  }
0x253: {  	[sflag:s0] =	ssyncadd.s32 @!p0 s1  }
0x254: {  	[bflag:$0x3] =	sbarrier.arrive $0xFFFF  }
0x255: {  	_ =	shalt  }

</sc_bundles>
